<compile_context>
chip_gen: v7x
topology: tpu7x:2x2x1
jax: 0.10.2.dev20260603
libtpu: 0.0.44.dev20260713+nightly
codegen_flags: <defaults>
</compile_context>

<pallas_src>
import functools

import jax
import jax.numpy as jnp
from jax import lax
from jax.experimental import pallas as pl
from jax.experimental.pallas import tpu as pltpu
from jax.experimental.pallas import tpu_sc as plsc

_NC = 2
_NS = 16
_NW = _NC * _NS
_LANES = 16
_NBUF = 4


def kernel(x, token_table, pos_table):
    B, S = x.shape
    V, E = token_table.shape
    RPW = B // _NW
    W = 2 * E

    tokp = jnp.pad(token_table, ((0, 0), (0, W - E)))
    xi = x.astype(jnp.int32)

    mesh = plsc.VectorSubcoreMesh(core_axis_name="c", subcore_axis_name="s")

    @functools.partial(
        pl.kernel,
        out_type=jax.ShapeDtypeStruct((B, S, W), jnp.float32),
        mesh=mesh,
        scratch_types=[
            pltpu.VMEM((RPW, S), jnp.int32),
            pltpu.VMEM((S, E), jnp.float32),
            pltpu.VMEM((_NBUF, S, W), jnp.float32),
            pltpu.SemaphoreType.DMA((_NBUF,)),
            pltpu.SemaphoreType.DMA((_NBUF,)),
        ],
        compiler_params=pltpu.CompilerParams(use_tc_tiling_on_sc=False),
    )
    def emb(x_hbm, tok_hbm, pos_hbm, out_hbm, idx_v, pos_v, bufs, gsem, osem):
        wid = lax.axis_index("c") * _NS + lax.axis_index("s")
        base = wid * RPW
        pltpu.sync_copy(x_hbm.at[pl.ds(base, RPW)], idx_v)
        pltpu.sync_copy(pos_hbm.at[pl.ds(0, S)], pos_v)

        def fire_gather(m, b):
            pltpu.async_copy(tok_hbm.at[idx_v.at[m]], bufs.at[b], gsem.at[b])

        def wait_gather(b):
            pltpu.make_async_copy(
                tok_hbm.at[pl.ds(0, S)], bufs.at[b], gsem.at[b]).wait()

        def fire_out(j, b):
            pltpu.async_copy(bufs.at[b], out_hbm.at[base + j], osem.at[b])

        def wait_out(b):
            pltpu.make_async_copy(
                bufs.at[b], out_hbm.at[base], osem.at[b]).wait()

        for b in range(_NBUF):
            fire_gather(b, b)

        @pl.loop(0, RPW // _NBUF)
        def _ring(g):
            for b in range(_NBUF):
                j = g * _NBUF + b
                bp = (b - 1) % _NBUF
                m = j + _NBUF - 1

                @pl.when(jnp.logical_and(j >= 1, m < RPW))
                def _():
                    wait_out(bp)
                    fire_gather(m, bp)

                wait_gather(b)

                @pl.loop(0, S)
                def _add(r):
                    for c in range(0, E, _LANES):
                        sl = pl.ds(c, _LANES)
                        plsc.addupdate(bufs.at[b, r, sl], pos_v[r, sl])

                fire_out(j, b)

        for b in range(_NBUF):
            wait_out(b)

    out = emb(xi, tokp, pos_table)
    return out[:, :, :E]

# --- scband reference (transcript-rebuilt; emitter-appended) ---
"""Pipeline reference for scband-embedding-layer-24670292148255 (READ-ONLY COPY).

The authoritative reference and input builder live on the scoring server;
editing this copy changes nothing except your own understanding.
"""

import jax, jax.numpy as jnp
import numpy as np

VOCAB = 1000000
EMBED = 64
MAX_LEN = 512
B = 1024
S = 200

def setup_inputs(seed: int = 0) -> dict:
    key = jax.random.key(seed)
    k1, k2, k3 = jax.random.split(key, 3)
    x = jax.random.randint(k1, (B, S), 0, VOCAB, dtype=jnp.int64) if jax.config.jax_enable_x64 else jax.random.randint(k1, (B, S), 0, VOCAB, dtype=jnp.int32)
    token_table = jax.random.normal(k2, (VOCAB, EMBED), dtype=jnp.float32)
    pos_table = jax.random.normal(k3, (MAX_LEN, EMBED), dtype=jnp.float32)
    return {"x": x, "token_table": token_table, "pos_table": pos_table}

def reference(x, token_table, pos_table):
    seq_len = x.shape[1]
    positions = jnp.broadcast_to(jnp.arange(seq_len)[None, :], x.shape)
    token_embeddings = jnp.take(token_table, x, axis=0)
    position_embeddings = jnp.take(pos_table, positions, axis=0)
    return token_embeddings + position_embeddings

if __name__ == "__main__":
    import jax
    _d = setup_inputs()
    print(jax.jit(kernel)(*tuple(_d.values())))

</pallas_src>

<mosaic_0001>
#map = affine_map<(d0, d1) -> (0, 0)>
#map1 = affine_map<(d0, d1) -> (0, 0, 0)>
module attributes {stable_mosaic.version = 14 : i64} {
  func.func @emb(%arg0: i32, %arg1: i32, %arg2: memref<1024x200xi32, #tpu.memory_space<hbm>>, %arg3: memref<1000000x128xf32, #tpu.memory_space<hbm>>, %arg4: memref<512x64xf32, #tpu.memory_space<hbm>>, %arg5: memref<1024x200x128xf32, #tpu.memory_space<hbm>>, %arg6: memref<32x200xi32, #tpu.memory_space<vmem>>, %arg7: memref<200x64xf32, #tpu.memory_space<vmem>>, %arg8: memref<4x200x128xf32, #tpu.memory_space<vmem>>, %arg9: memref<4x!tpu.dma_semaphore, #tpu.memory_space<semaphore_mem>>, %arg10: memref<4x!tpu.dma_semaphore, #tpu.memory_space<semaphore_mem>>) attributes {dimension_semantics = [#tpu.dimension_semantics<core_parallel>, #tpu.dimension_semantics<subcore_parallel>], iteration_bounds = array<i64: 2, 16>, scalar_prefetch = 0 : i64, scratch_operands = 5 : i64, tpu.core_type = #tpu.core_type<sc_vector_subcore>, window_params = [{transform_indices = #map}, {transform_indices = #map}, {transform_indices = #map}, {transform_indices = #map1}]} {
    %mul3A = arith.constant 16 : i32
    %mul3A_0 = arith.muli %arg0, %mul3A : i32
    %add3A = arith.addi %mul3A_0, %arg1 : i32
    %mul3A_1 = arith.constant 32 : i32
    %mul3A_2 = arith.muli %add3A, %mul3A_1 : i32
    "tpu.region"() ({
      %run_scoped3A = tpu.sem_alloc : memref<!tpu.dma_semaphore, #tpu.memory_space<semaphore_mem>>
      %dma_start3A_145 = arith.constant 0 : i32
      %dma_start3A_146 = tpu.memref_slice %arg2[%mul3A_2, %dma_start3A_145] : memref<1024x200xi32, #tpu.memory_space<hbm>> -> memref<32x200xi32, #tpu.memory_space<hbm>>
      %dma_start3A_147 = arith.constant 0 : i32
      %dma_start3A_148 = tpu.memref_slice %arg2[%mul3A_2, %dma_start3A_147] : memref<1024x200xi32, #tpu.memory_space<hbm>> -> memref<32x200xi32, #tpu.memory_space<hbm>>
      tpu.enqueue_dma source(%dma_start3A_148 : memref<32x200xi32, #tpu.memory_space<hbm>>) target(%arg6 : memref<32x200xi32, #tpu.memory_space<vmem>>) target_semaphore(%run_scoped3A : memref<!tpu.dma_semaphore, #tpu.memory_space<semaphore_mem>>)
      %dma_wait3A_149 = arith.constant 0 : i32
      %dma_wait3A_150 = tpu.memref_slice %arg2[%mul3A_2, %dma_wait3A_149] : memref<1024x200xi32, #tpu.memory_space<hbm>> -> memref<32x200xi32, #tpu.memory_space<hbm>>
      %dma_wait3A_151 = arith.constant 0 : i32
      %dma_wait3A_152 = tpu.memref_slice %arg2[%mul3A_2, %dma_wait3A_151] : memref<1024x200xi32, #tpu.memory_space<hbm>> -> memref<32x200xi32, #tpu.memory_space<hbm>>
      tpu.wait_dma2 semaphore(%run_scoped3A : memref<!tpu.dma_semaphore, #tpu.memory_space<semaphore_mem>>) src(%dma_wait3A_152 : memref<32x200xi32, #tpu.memory_space<hbm>>) dst(%arg6 : memref<32x200xi32, #tpu.memory_space<vmem>>)
      tpu.yield
    }) : () -> ()
    "tpu.region"() ({
      %run_scoped3A = tpu.sem_alloc : memref<!tpu.dma_semaphore, #tpu.memory_space<semaphore_mem>>
      %dma_start3A_145 = arith.constant 0 : i32
      %dma_start3A_146 = arith.constant 0 : i32
      %dma_start3A_147 = tpu.memref_slice %arg4[%dma_start3A_145, %dma_start3A_146] : memref<512x64xf32, #tpu.memory_space<hbm>> -> memref<200x64xf32, #tpu.memory_space<hbm>>
      %dma_start3A_148 = arith.constant 0 : i32
      %dma_start3A_149 = arith.constant 0 : i32
      %dma_start3A_150 = tpu.memref_slice %arg4[%dma_start3A_148, %dma_start3A_149] : memref<512x64xf32, #tpu.memory_space<hbm>> -> memref<200x64xf32, #tpu.memory_space<hbm>>
      tpu.enqueue_dma source(%dma_start3A_150 : memref<200x64xf32, #tpu.memory_space<hbm>>) target(%arg7 : memref<200x64xf32, #tpu.memory_space<vmem>>) target_semaphore(%run_scoped3A : memref<!tpu.dma_semaphore, #tpu.memory_space<semaphore_mem>>)
      %dma_wait3A_151 = arith.constant 0 : i32
      %dma_wait3A_152 = arith.constant 0 : i32
      %dma_wait3A_153 = tpu.memref_slice %arg4[%dma_wait3A_151, %dma_wait3A_152] : memref<512x64xf32, #tpu.memory_space<hbm>> -> memref<200x64xf32, #tpu.memory_space<hbm>>
      %dma_wait3A_154 = arith.constant 0 : i32
      %dma_wait3A_155 = arith.constant 0 : i32
      %dma_wait3A_156 = tpu.memref_slice %arg4[%dma_wait3A_154, %dma_wait3A_155] : memref<512x64xf32, #tpu.memory_space<hbm>> -> memref<200x64xf32, #tpu.memory_space<hbm>>
      tpu.wait_dma2 semaphore(%run_scoped3A : memref<!tpu.dma_semaphore, #tpu.memory_space<semaphore_mem>>) src(%dma_wait3A_156 : memref<200x64xf32, #tpu.memory_space<hbm>>) dst(%arg7 : memref<200x64xf32, #tpu.memory_space<vmem>>)
      tpu.yield
    }) : () -> ()
    %dma_start3A = arith.constant 0 : i32
    %dma_start3A_3 = arith.constant 0 : i32
    %dma_start3A_4 = arith.constant 0 : i32
    %dma_start3A_5 = arith.constant 0 : i32
    %dma_start3A_6 = arith.constant 0 : i32
    %dma_start3A_7 = tpu.memref_slice %arg8[%dma_start3A_3, %dma_start3A_5, %dma_start3A_6] : memref<4x200x128xf32, #tpu.memory_space<vmem>> -> memref<1x200x128xf32, #tpu.memory_space<vmem>>
    %dma_start3A_8 = tpu.memref_squeeze %dma_start3A_7 : memref<1x200x128xf32, #tpu.memory_space<vmem>> -> memref<200x128xf32, #tpu.memory_space<vmem>>
    %dma_start3A_9 = arith.constant 0 : i32
    %dma_start3A_10 = tpu.memref_slice %arg6[%dma_start3A, %dma_start3A_9] : memref<32x200xi32, #tpu.memory_space<vmem>> -> memref<1x200xi32, #tpu.memory_space<vmem>>
    %dma_start3A_11 = tpu.memref_squeeze %dma_start3A_10 : memref<1x200xi32, #tpu.memory_space<vmem>> -> memref<200xi32, #tpu.memory_space<vmem>>
    %dma_start3A_12 = arith.constant 0 : i32
    %dma_start3A_13 = arith.constant 0 : i32
    %dma_start3A_14 = tpu.memref_slice %arg3[%dma_start3A_12, %dma_start3A_13] : memref<1000000x128xf32, #tpu.memory_space<hbm>> -> memref<1000000x128xf32, #tpu.memory_space<hbm>>
    %dma_start3A_15 = tpu.memref_slice %arg9[%dma_start3A_4] : memref<4x!tpu.dma_semaphore, #tpu.memory_space<semaphore_mem>> -> memref<1x!tpu.dma_semaphore, #tpu.memory_space<semaphore_mem>>
    %dma_start3A_16 = tpu.memref_squeeze %dma_start3A_15 : memref<1x!tpu.dma_semaphore, #tpu.memory_space<semaphore_mem>> -> memref<!tpu.dma_semaphore, #tpu.memory_space<semaphore_mem>>
    tpu.enqueue_indirect_dma source(%dma_start3A_14 : memref<1000000x128xf32, #tpu.memory_space<hbm>>) target(%dma_start3A_8 : memref<200x128xf32, #tpu.memory_space<vmem>>) offsets(%dma_start3A_11 : memref<200xi32, #tpu.memory_space<vmem>>) semaphore(%dma_start3A_16 : memref<!tpu.dma_semaphore, #tpu.memory_space<semaphore_mem>>)
    %dma_start3A_17 = arith.constant 1 : i32
    %dma_start3A_18 = arith.constant 1 : i32
    %dma_start3A_19 = arith.constant 1 : i32
    %dma_start3A_20 = arith.constant 0 : i32
    %dma_start3A_21 = arith.constant 0 : i32
    %dma_start3A_22 = tpu.memref_slice %arg8[%dma_start3A_18, %dma_start3A_20, %dma_start3A_21] : memref<4x200x128xf32, #tpu.memory_space<vmem>> -> memref<1x200x128xf32, #tpu.memory_space<vmem>>
    %dma_start3A_23 = tpu.memref_squeeze %dma_start3A_22 : memref<1x200x128xf32, #tpu.memory_space<vmem>> -> memref<200x128xf32, #tpu.memory_space<vmem>>
    %dma_start3A_24 = arith.constant 0 : i32
    %dma_start3A_25 = tpu.memref_slice %arg6[%dma_start3A_17, %dma_start3A_24] : memref<32x200xi32, #tpu.memory_space<vmem>> -> memref<1x200xi32, #tpu.memory_space<vmem>>
    %dma_start3A_26 = tpu.memref_squeeze %dma_start3A_25 : memref<1x200xi32, #tpu.memory_space<vmem>> -> memref<200xi32, #tpu.memory_space<vmem>>
    %dma_start3A_27 = arith.constant 0 : i32
    %dma_start3A_28 = arith.constant 0 : i32
    %dma_start3A_29 = tpu.memref_slice %arg3[%dma_start3A_27, %dma_start3A_28] : memref<1000000x128xf32, #tpu.memory_space<hbm>> -> memref<1000000x128xf32, #tpu.memory_space<hbm>>
    %dma_start3A_30 = tpu.memref_slice %arg9[%dma_start3A_19] : memref<4x!tpu.dma_semaphore, #tpu.memory_space<semaphore_mem>> -> memref<1x!tpu.dma_semaphore, #tpu.memory_space<semaphore_mem>>
    %dma_start3A_31 = tpu.memref_squeeze %dma_start3A_30 : memref<1x!tpu.dma_semaphore, #tpu.memory_space<semaphore_mem>> -> memref<!tpu.dma_semaphore, #tpu.memory_space<semaphore_mem>>
    tpu.enqueue_indirect_dma source(%dma_start3A_29 : memref<1000000x128xf32, #tpu.memory_space<hbm>>) target(%dma_start3A_23 : memref<200x128xf32, #tpu.memory_space<vmem>>) offsets(%dma_start3A_26 : memref<200xi32, #tpu.memory_space<vmem>>) semaphore(%dma_start3A_31 : memref<!tpu.dma_semaphore, #tpu.memory_space<semaphore_mem>>)
    %dma_start3A_32 = arith.constant 2 : i32
    %dma_start3A_33 = arith.constant 2 : i32
    %dma_start3A_34 = arith.constant 2 : i32
    %dma_start3A_35 = arith.constant 0 : i32
    %dma_start3A_36 = arith.constant 0 : i32
    %dma_start3A_37 = tpu.memref_slice %arg8[%dma_start3A_33, %dma_start3A_35, %dma_start3A_36] : memref<4x200x128xf32, #tpu.memory_space<vmem>> -> memref<1x200x128xf32, #tpu.memory_space<vmem>>
    %dma_start3A_38 = tpu.memref_squeeze %dma_start3A_37 : memref<1x200x128xf32, #tpu.memory_space<vmem>> -> memref<200x128xf32, #tpu.memory_space<vmem>>
    %dma_start3A_39 = arith.constant 0 : i32
    %dma_start3A_40 = tpu.memref_slice %arg6[%dma_start3A_32, %dma_start3A_39] : memref<32x200xi32, #tpu.memory_space<vmem>> -> memref<1x200xi32, #tpu.memory_space<vmem>>
    %dma_start3A_41 = tpu.memref_squeeze %dma_start3A_40 : memref<1x200xi32, #tpu.memory_space<vmem>> -> memref<200xi32, #tpu.memory_space<vmem>>
    %dma_start3A_42 = arith.constant 0 : i32
    %dma_start3A_43 = arith.constant 0 : i32
    %dma_start3A_44 = tpu.memref_slice %arg3[%dma_start3A_42, %dma_start3A_43] : memref<1000000x128xf32, #tpu.memory_space<hbm>> -> memref<1000000x128xf32, #tpu.memory_space<hbm>>
    %dma_start3A_45 = tpu.memref_slice %arg9[%dma_start3A_34] : memref<4x!tpu.dma_semaphore, #tpu.memory_space<semaphore_mem>> -> memref<1x!tpu.dma_semaphore, #tpu.memory_space<semaphore_mem>>
    %dma_start3A_46 = tpu.memref_squeeze %dma_start3A_45 : memref<1x!tpu.dma_semaphore, #tpu.memory_space<semaphore_mem>> -> memref<!tpu.dma_semaphore, #tpu.memory_space<semaphore_mem>>
    tpu.enqueue_indirect_dma source(%dma_start3A_44 : memref<1000000x128xf32, #tpu.memory_space<hbm>>) target(%dma_start3A_38 : memref<200x128xf32, #tpu.memory_space<vmem>>) offsets(%dma_start3A_41 : memref<200xi32, #tpu.memory_space<vmem>>) semaphore(%dma_start3A_46 : memref<!tpu.dma_semaphore, #tpu.memory_space<semaphore_mem>>)
    %dma_start3A_47 = arith.constant 3 : i32
    %dma_start3A_48 = arith.constant 3 : i32
    %dma_start3A_49 = arith.constant 3 : i32
    %dma_start3A_50 = arith.constant 0 : i32
    %dma_start3A_51 = arith.constant 0 : i32
    %dma_start3A_52 = tpu.memref_slice %arg8[%dma_start3A_48, %dma_start3A_50, %dma_start3A_51] : memref<4x200x128xf32, #tpu.memory_space<vmem>> -> memref<1x200x128xf32, #tpu.memory_space<vmem>>
    %dma_start3A_53 = tpu.memref_squeeze %dma_start3A_52 : memref<1x200x128xf32, #tpu.memory_space<vmem>> -> memref<200x128xf32, #tpu.memory_space<vmem>>
    %dma_start3A_54 = arith.constant 0 : i32
    %dma_start3A_55 = tpu.memref_slice %arg6[%dma_start3A_47, %dma_start3A_54] : memref<32x200xi32, #tpu.memory_space<vmem>> -> memref<1x200xi32, #tpu.memory_space<vmem>>
    %dma_start3A_56 = tpu.memref_squeeze %dma_start3A_55 : memref<1x200xi32, #tpu.memory_space<vmem>> -> memref<200xi32, #tpu.memory_space<vmem>>
    %dma_start3A_57 = arith.constant 0 : i32
    %dma_start3A_58 = arith.constant 0 : i32
    %dma_start3A_59 = tpu.memref_slice %arg3[%dma_start3A_57, %dma_start3A_58] : memref<1000000x128xf32, #tpu.memory_space<hbm>> -> memref<1000000x128xf32, #tpu.memory_space<hbm>>
    %dma_start3A_60 = tpu.memref_slice %arg9[%dma_start3A_49] : memref<4x!tpu.dma_semaphore, #tpu.memory_space<semaphore_mem>> -> memref<1x!tpu.dma_semaphore, #tpu.memory_space<semaphore_mem>>
    %dma_start3A_61 = tpu.memref_squeeze %dma_start3A_60 : memref<1x!tpu.dma_semaphore, #tpu.memory_space<semaphore_mem>> -> memref<!tpu.dma_semaphore, #tpu.memory_space<semaphore_mem>>
    tpu.enqueue_indirect_dma source(%dma_start3A_59 : memref<1000000x128xf32, #tpu.memory_space<hbm>>) target(%dma_start3A_53 : memref<200x128xf32, #tpu.memory_space<vmem>>) offsets(%dma_start3A_56 : memref<200xi32, #tpu.memory_space<vmem>>) semaphore(%dma_start3A_61 : memref<!tpu.dma_semaphore, #tpu.memory_space<semaphore_mem>>)
    %scan3A = arith.constant 0 : i32
    %scan3A_62 = arith.constant 8 : i32
    %scan3A_63 = arith.addi %scan3A, %scan3A_62 : i32
    %scan3A_64 = arith.constant 1 : i32
    scf.for %scan3A_145 = %scan3A to %scan3A_63 step %scan3A_64  : i32 {
      %mul3A_146 = arith.constant 1 : i32
      %mul3A_147 = arith.muli %scan3A_145, %mul3A_146 : i32
      %add3A_148 = arith.constant 0 : i32
      %add3A_149 = arith.addi %add3A_148, %mul3A_147 : i32
      %mul3A_150 = arith.constant 4 : i32
      %mul3A_151 = arith.muli %add3A_149, %mul3A_150 : i32
      %add3A_152 = arith.constant 0 : i32
      %add3A_153 = arith.addi %mul3A_151, %add3A_152 : i32
      %add3A_154 = arith.constant 4 : i32
      %add3A_155 = arith.addi %add3A_153, %add3A_154 : i32
      %sub3A = arith.constant 1 : i32
      %sub3A_156 = arith.subi %add3A_155, %sub3A : i32
      %ge3A = arith.constant 1 : i32
      %ge3A_157 = arith.cmpi sge, %add3A_153, %ge3A : i32
      %lt3A = arith.constant 32 : i32
      %lt3A_158 = arith.cmpi slt, %sub3A_156, %lt3A : i32
      %and3A = arith.andi %ge3A_157, %lt3A_158 : i1
      %convert_element_type3A = arith.extui %and3A : i1 to i32
      %cond3A = arith.constant 0 : i32
      %cond3A_159 = arith.cmpi ne, %convert_element_type3A, %cond3A : i32
      scf.if %cond3A_159 {
        %dma_wait3A_384 = arith.constant 3 : i32
        %dma_wait3A_385 = arith.constant 3 : i32
        %dma_wait3A_386 = arith.constant 0 : i32
        %dma_wait3A_387 = arith.constant 0 : i32
        %dma_wait3A_388 = tpu.memref_slice %arg8[%dma_wait3A_384, %dma_wait3A_386, %dma_wait3A_387] : memref<4x200x128xf32, #tpu.memory_space<vmem>> -> memref<1x200x128xf32, #tpu.memory_space<vmem>>
        %dma_wait3A_389 = tpu.memref_squeeze %dma_wait3A_388 : memref<1x200x128xf32, #tpu.memory_space<vmem>> -> memref<200x128xf32, #tpu.memory_space<vmem>>
        %dma_wait3A_390 = arith.constant 0 : i32
        %dma_wait3A_391 = arith.constant 0 : i32
        %dma_wait3A_392 = tpu.memref_slice %arg5[%mul3A_2, %dma_wait3A_390, %dma_wait3A_391] : memref<1024x200x128xf32, #tpu.memory_space<hbm>> -> memref<1x200x128xf32, #tpu.memory_space<hbm>>
        %dma_wait3A_393 = tpu.memref_squeeze %dma_wait3A_392 : memref<1x200x128xf32, #tpu.memory_space<hbm>> -> memref<200x128xf32, #tpu.memory_space<hbm>>
        %dma_wait3A_394 = tpu.memref_slice %arg10[%dma_wait3A_385] : memref<4x!tpu.dma_semaphore, #tpu.memory_space<semaphore_mem>> -> memref<1x!tpu.dma_semaphore, #tpu.memory_space<semaphore_mem>>
        %dma_wait3A_395 = tpu.memref_squeeze %dma_wait3A_394 : memref<1x!tpu.dma_semaphore, #tpu.memory_space<semaphore_mem>> -> memref<!tpu.dma_semaphore, #tpu.memory_space<semaphore_mem>>
        %dma_wait3A_396 = arith.constant 0 : i32
        %dma_wait3A_397 = arith.constant 0 : i32
        %dma_wait3A_398 = tpu.memref_slice %arg5[%mul3A_2, %dma_wait3A_396, %dma_wait3A_397] : memref<1024x200x128xf32, #tpu.memory_space<hbm>> -> memref<1x200x128xf32, #tpu.memory_space<hbm>>
        %dma_wait3A_399 = tpu.memref_squeeze %dma_wait3A_398 : memref<1x200x128xf32, #tpu.memory_space<hbm>> -> memref<200x128xf32, #tpu.memory_space<hbm>>
        %dma_wait3A_400 = arith.constant 0 : i32
        %dma_wait3A_401 = arith.constant 0 : i32
        %dma_wait3A_402 = tpu.memref_slice %arg8[%dma_wait3A_384, %dma_wait3A_400, %dma_wait3A_401] : memref<4x200x128xf32, #tpu.memory_space<vmem>> -> memref<1x200x128xf32, #tpu.memory_space<vmem>>
        %dma_wait3A_403 = tpu.memref_squeeze %dma_wait3A_402 : memref<1x200x128xf32, #tpu.memory_space<vmem>> -> memref<200x128xf32, #tpu.memory_space<vmem>>
        tpu.wait_dma2 semaphore(%dma_wait3A_395 : memref<!tpu.dma_semaphore, #tpu.memory_space<semaphore_mem>>) src(%dma_wait3A_403 : memref<200x128xf32, #tpu.memory_space<vmem>>) dst(%dma_wait3A_399 : memref<200x128xf32, #tpu.memory_space<hbm>>)
        %dma_start3A_404 = arith.constant 3 : i32
        %dma_start3A_405 = arith.constant 3 : i32
        %dma_start3A_406 = arith.constant 0 : i32
        %dma_start3A_407 = arith.constant 0 : i32
        %dma_start3A_408 = tpu.memref_slice %arg8[%dma_start3A_404, %dma_start3A_406, %dma_start3A_407] : memref<4x200x128xf32, #tpu.memory_space<vmem>> -> memref<1x200x128xf32, #tpu.memory_space<vmem>>
        %dma_start3A_409 = tpu.memref_squeeze %dma_start3A_408 : memref<1x200x128xf32, #tpu.memory_space<vmem>> -> memref<200x128xf32, #tpu.memory_space<vmem>>
        %dma_start3A_410 = arith.constant 0 : i32
        %dma_start3A_411 = tpu.memref_slice %arg6[%sub3A_156, %dma_start3A_410] : memref<32x200xi32, #tpu.memory_space<vmem>> -> memref<1x200xi32, #tpu.memory_space<vmem>>
        %dma_start3A_412 = tpu.memref_squeeze %dma_start3A_411 : memref<1x200xi32, #tpu.memory_space<vmem>> -> memref<200xi32, #tpu.memory_space<vmem>>
        %dma_start3A_413 = arith.constant 0 : i32
        %dma_start3A_414 = arith.constant 0 : i32
        %dma_start3A_415 = tpu.memref_slice %arg3[%dma_start3A_413, %dma_start3A_414] : memref<1000000x128xf32, #tpu.memory_space<hbm>> -> memref<1000000x128xf32, #tpu.memory_space<hbm>>
        %dma_start3A_416 = tpu.memref_slice %arg9[%dma_start3A_405] : memref<4x!tpu.dma_semaphore, #tpu.memory_space<semaphore_mem>> -> memref<1x!tpu.dma_semaphore, #tpu.memory_space<semaphore_mem>>
        %dma_start3A_417 = tpu.memref_squeeze %dma_start3A_416 : memref<1x!tpu.dma_semaphore, #tpu.memory_space<semaphore_mem>> -> memref<!tpu.dma_semaphore, #tpu.memory_space<semaphore_mem>>
        tpu.enqueue_indirect_dma source(%dma_start3A_415 : memref<1000000x128xf32, #tpu.memory_space<hbm>>) target(%dma_start3A_409 : memref<200x128xf32, #tpu.memory_space<vmem>>) offsets(%dma_start3A_412 : memref<200xi32, #tpu.memory_space<vmem>>) semaphore(%dma_start3A_417 : memref<!tpu.dma_semaphore, #tpu.memory_space<semaphore_mem>>)
      } else {
      }
      %dma_wait3A_160 = arith.constant 0 : i32
      %dma_wait3A_161 = arith.constant 0 : i32
      %dma_wait3A_162 = arith.constant 0 : i32
      %dma_wait3A_163 = arith.constant 0 : i32
      %dma_wait3A_164 = tpu.memref_slice %arg8[%dma_wait3A_160, %dma_wait3A_162, %dma_wait3A_163] : memref<4x200x128xf32, #tpu.memory_space<vmem>> -> memref<1x200x128xf32, #tpu.memory_space<vmem>>
      %dma_wait3A_165 = tpu.memref_squeeze %dma_wait3A_164 : memref<1x200x128xf32, #tpu.memory_space<vmem>> -> memref<200x128xf32, #tpu.memory_space<vmem>>
      %dma_wait3A_166 = arith.constant 0 : i32
      %dma_wait3A_167 = arith.constant 0 : i32
      %dma_wait3A_168 = tpu.memref_slice %arg3[%dma_wait3A_166, %dma_wait3A_167] : memref<1000000x128xf32, #tpu.memory_space<hbm>> -> memref<200x128xf32, #tpu.memory_space<hbm>>
      %dma_wait3A_169 = tpu.memref_slice %arg9[%dma_wait3A_161] : memref<4x!tpu.dma_semaphore, #tpu.memory_space<semaphore_mem>> -> memref<1x!tpu.dma_semaphore, #tpu.memory_space<semaphore_mem>>
      %dma_wait3A_170 = tpu.memref_squeeze %dma_wait3A_169 : memref<1x!tpu.dma_semaphore, #tpu.memory_space<semaphore_mem>> -> memref<!tpu.dma_semaphore, #tpu.memory_space<semaphore_mem>>
      %dma_wait3A_171 = arith.constant 0 : i32
      %dma_wait3A_172 = arith.constant 0 : i32
      %dma_wait3A_173 = tpu.memref_slice %arg8[%dma_wait3A_160, %dma_wait3A_171, %dma_wait3A_172] : memref<4x200x128xf32, #tpu.memory_space<vmem>> -> memref<1x200x128xf32, #tpu.memory_space<vmem>>
      %dma_wait3A_174 = tpu.memref_squeeze %dma_wait3A_173 : memref<1x200x128xf32, #tpu.memory_space<vmem>> -> memref<200x128xf32, #tpu.memory_space<vmem>>
      %dma_wait3A_175 = arith.constant 0 : i32
      %dma_wait3A_176 = arith.constant 0 : i32
      %dma_wait3A_177 = tpu.memref_slice %arg3[%dma_wait3A_175, %dma_wait3A_176] : memref<1000000x128xf32, #tpu.memory_space<hbm>> -> memref<200x128xf32, #tpu.memory_space<hbm>>
      tpu.wait_dma2 semaphore(%dma_wait3A_170 : memref<!tpu.dma_semaphore, #tpu.memory_space<semaphore_mem>>) src(%dma_wait3A_177 : memref<200x128xf32, #tpu.memory_space<hbm>>) dst(%dma_wait3A_174 : memref<200x128xf32, #tpu.memory_space<vmem>>)
      %scan3A_178 = arith.constant 0 : i32
      %scan3A_179 = arith.constant 200 : i32
      %scan3A_180 = arith.addi %scan3A_178, %scan3A_179 : i32
      %scan3A_181 = arith.constant 1 : i32
      scf.for %scan3A_384 = %scan3A_178 to %scan3A_180 step %scan3A_181  : i32 {
        %mul3A_385 = arith.constant 1 : i32
        %mul3A_386 = arith.muli %scan3A_384, %mul3A_385 : i32
        %add3A_387 = arith.constant 0 : i32
        %add3A_388 = arith.addi %add3A_387, %mul3A_386 : i32
        %get3A = arith.index_cast %add3A_388 : i32 to index
        %get3A_389 = arith.constant 0 : index
        %get3A_390 = tpu.vector_load %arg7[%get3A, %get3A_389] {strides = array<i32>} : memref<200x64xf32, #tpu.memory_space<vmem>>, vector<1x16xf32>,
        %get3A_391 = vector.shape_cast %get3A_390 : vector<1x16xf32> to vector<16xf32>
        %swap3A = arith.constant 0 : i32
        %swap3A_392 = arith.index_cast %swap3A : i32 to index
        %swap3A_393 = arith.index_cast %add3A_388 : i32 to index
        %swap3A_394 = arith.constant 0 : index
        %swap3A_395 = tpu.vector_load %arg8[%swap3A_392, %swap3A_393, %swap3A_394] {strides = array<i32>} : memref<4x200x128xf32, #tpu.memory_space<vmem>>, vector<1x1x16xf32>,
        %swap3A_396 = vector.shape_cast %swap3A_395 : vector<1x1x16xf32> to vector<16xf32>
        %swap3A_397 = vector.shape_cast %get3A_391 : vector<16xf32> to vector<1x1x16xf32>
        tpu.vector_store %arg8[%swap3A_392, %swap3A_393, %swap3A_394], %swap3A_397 {add = true, strides = array<i32>} : memref<4x200x128xf32, #tpu.memory_space<vmem>>, vector<1x1x16xf32>,
        %get3A_398 = arith.index_cast %add3A_388 : i32 to index
        %get3A_399 = arith.constant 16 : index
        %get3A_400 = tpu.vector_load %arg7[%get3A_398, %get3A_399] {strides = array<i32>} : memref<200x64xf32, #tpu.memory_space<vmem>>, vector<1x16xf32>,
        %get3A_401 = vector.shape_cast %get3A_400 : vector<1x16xf32> to vector<16xf32>
        %swap3A_402 = arith.constant 0 : i32
        %swap3A_403 = arith.index_cast %swap3A_402 : i32 to index
        %swap3A_404 = arith.index_cast %add3A_388 : i32 to index
        %swap3A_405 = arith.constant 16 : index
        %swap3A_406 = tpu.vector_load %arg8[%swap3A_403, %swap3A_404, %swap3A_405] {strides = array<i32>} : memref<4x200x128xf32, #tpu.memory_space<vmem>>, vector<1x1x16xf32>,
        %swap3A_407 = vector.shape_cast %swap3A_406 : vector<1x1x16xf32> to vector<16xf32>
        %swap3A_408 = vector.shape_cast %get3A_401 : vector<16xf32> to vector<1x1x16xf32>
        tpu.vector_store %arg8[%swap3A_403, %swap3A_404, %swap3A_405], %swap3A_408 {add = true, strides = array<i32>} : memref<4x200x128xf32, #tpu.memory_space<vmem>>, vector<1x1x16xf32>,
        %get3A_409 = arith.index_cast %add3A_388 : i32 to index
        %get3A_410 = arith.constant 32 : index
        %get3A_411 = tpu.vector_load %arg7[%get3A_409, %get3A_410] {strides = array<i32>} : memref<200x64xf32, #tpu.memory_space<vmem>>, vector<1x16xf32>,
        %get3A_412 = vector.shape_cast %get3A_411 : vector<1x16xf32> to vector<16xf32>
        %swap3A_413 = arith.constant 0 : i32
        %swap3A_414 = arith.index_cast %swap3A_413 : i32 to index
        %swap3A_415 = arith.index_cast %add3A_388 : i32 to index
        %swap3A_416 = arith.constant 32 : index
        %swap3A_417 = tpu.vector_load %arg8[%swap3A_414, %swap3A_415, %swap3A_416] {strides = array<i32>} : memref<4x200x128xf32, #tpu.memory_space<vmem>>, vector<1x1x16xf32>,
        %swap3A_418 = vector.shape_cast %swap3A_417 : vector<1x1x16xf32> to vector<16xf32>
        %swap3A_419 = vector.shape_cast %get3A_412 : vector<16xf32> to vector<1x1x16xf32>
        tpu.vector_store %arg8[%swap3A_414, %swap3A_415, %swap3A_416], %swap3A_419 {add = true, strides = array<i32>} : memref<4x200x128xf32, #tpu.memory_space<vmem>>, vector<1x1x16xf32>,
        %get3A_420 = arith.index_cast %add3A_388 : i32 to index
        %get3A_421 = arith.constant 48 : index
        %get3A_422 = tpu.vector_load %arg7[%get3A_420, %get3A_421] {strides = array<i32>} : memref<200x64xf32, #tpu.memory_space<vmem>>, vector<1x16xf32>,
        %get3A_423 = vector.shape_cast %get3A_422 : vector<1x16xf32> to vector<16xf32>
        %swap3A_424 = arith.constant 0 : i32
        %swap3A_425 = arith.index_cast %swap3A_424 : i32 to index
        %swap3A_426 = arith.index_cast %add3A_388 : i32 to index
        %swap3A_427 = arith.constant 48 : index
        %swap3A_428 = tpu.vector_load %arg8[%swap3A_425, %swap3A_426, %swap3A_427] {strides = array<i32>} : memref<4x200x128xf32, #tpu.memory_space<vmem>>, vector<1x1x16xf32>,
        %swap3A_429 = vector.shape_cast %swap3A_428 : vector<1x1x16xf32> to vector<16xf32>
        %swap3A_430 = vector.shape_cast %get3A_423 : vector<16xf32> to vector<1x1x16xf32>
        tpu.vector_store %arg8[%swap3A_425, %swap3A_426, %swap3A_427], %swap3A_430 {add = true, strides = array<i32>} : memref<4x200x128xf32, #tpu.memory_space<vmem>>, vector<1x1x16xf32>,
      }
      %scan3A_182 = arith.constant 200 : i32
      %add3A_183 = arith.addi %mul3A_2, %add3A_153 : i32
      %dma_start3A_184 = arith.constant 0 : i32
      %dma_start3A_185 = arith.constant 0 : i32
      %dma_start3A_186 = arith.constant 0 : i32
      %dma_start3A_187 = arith.constant 0 : i32
      %dma_start3A_188 = tpu.memref_slice %arg8[%dma_start3A_184, %dma_start3A_186, %dma_start3A_187] : memref<4x200x128xf32, #tpu.memory_space<vmem>> -> memref<1x200x128xf32, #tpu.memory_space<vmem>>
      %dma_start3A_189 = tpu.memref_squeeze %dma_start3A_188 : memref<1x200x128xf32, #tpu.memory_space<vmem>> -> memref<200x128xf32, #tpu.memory_space<vmem>>
      %dma_start3A_190 = arith.constant 0 : i32
      %dma_start3A_191 = arith.constant 0 : i32
      %dma_start3A_192 = tpu.memref_slice %arg5[%add3A_183, %dma_start3A_190, %dma_start3A_191] : memref<1024x200x128xf32, #tpu.memory_space<hbm>> -> memref<1x200x128xf32, #tpu.memory_space<hbm>>
      %dma_start3A_193 = tpu.memref_squeeze %dma_start3A_192 : memref<1x200x128xf32, #tpu.memory_space<hbm>> -> memref<200x128xf32, #tpu.memory_space<hbm>>
      %dma_start3A_194 = tpu.memref_slice %arg10[%dma_start3A_185] : memref<4x!tpu.dma_semaphore, #tpu.memory_space<semaphore_mem>> -> memref<1x!tpu.dma_semaphore, #tpu.memory_space<semaphore_mem>>
      %dma_start3A_195 = tpu.memref_squeeze %dma_start3A_194 : memref<1x!tpu.dma_semaphore, #tpu.memory_space<semaphore_mem>> -> memref<!tpu.dma_semaphore, #tpu.memory_space<semaphore_mem>>
      %dma_start3A_196 = arith.constant 0 : i32
      %dma_start3A_197 = arith.constant 0 : i32
      %dma_start3A_198 = tpu.memref_slice %arg5[%add3A_183, %dma_start3A_196, %dma_start3A_197] : memref<1024x200x128xf32, #tpu.memory_space<hbm>> -> memref<1x200x128xf32, #tpu.memory_space<hbm>>
      %dma_start3A_199 = tpu.memref_squeeze %dma_start3A_198 : memref<1x200x128xf32, #tpu.memory_space<hbm>> -> memref<200x128xf32, #tpu.memory_space<hbm>>
      %dma_start3A_200 = arith.constant 0 : i32
      %dma_start3A_201 = arith.constant 0 : i32
      %dma_start3A_202 = tpu.memref_slice %arg8[%dma_start3A_184, %dma_start3A_200, %dma_start3A_201] : memref<4x200x128xf32, #tpu.memory_space<vmem>> -> memref<1x200x128xf32, #tpu.memory_space<vmem>>
      %dma_start3A_203 = tpu.memref_squeeze %dma_start3A_202 : memref<1x200x128xf32, #tpu.memory_space<vmem>> -> memref<200x128xf32, #tpu.memory_space<vmem>>
      tpu.enqueue_dma source(%dma_start3A_203 : memref<200x128xf32, #tpu.memory_space<vmem>>) target(%dma_start3A_199 : memref<200x128xf32, #tpu.memory_space<hbm>>) target_semaphore(%dma_start3A_195 : memref<!tpu.dma_semaphore, #tpu.memory_space<semaphore_mem>>)
      %mul3A_204 = arith.constant 4 : i32
      %mul3A_205 = arith.muli %add3A_149, %mul3A_204 : i32
      %add3A_206 = arith.constant 1 : i32
      %add3A_207 = arith.addi %mul3A_205, %add3A_206 : i32
      %add3A_208 = arith.constant 4 : i32
      %add3A_209 = arith.addi %add3A_207, %add3A_208 : i32
      %sub3A_210 = arith.constant 1 : i32
      %sub3A_211 = arith.subi %add3A_209, %sub3A_210 : i32
      %ge3A_212 = arith.constant 1 : i32
      %ge3A_213 = arith.cmpi sge, %add3A_207, %ge3A_212 : i32
      %lt3A_214 = arith.constant 32 : i32
      %lt3A_215 = arith.cmpi slt, %sub3A_211, %lt3A_214 : i32
      %and3A_216 = arith.andi %ge3A_213, %lt3A_215 : i1
      %convert_element_type3A_217 = arith.extui %and3A_216 : i1 to i32
      %cond3A_218 = arith.constant 0 : i32
      %cond3A_219 = arith.cmpi ne, %convert_element_type3A_217, %cond3A_218 : i32
      scf.if %cond3A_219 {
        %dma_wait3A_384 = arith.constant 0 : i32
        %dma_wait3A_385 = arith.constant 0 : i32
        %dma_wait3A_386 = arith.constant 0 : i32
        %dma_wait3A_387 = arith.constant 0 : i32
        %dma_wait3A_388 = tpu.memref_slice %arg8[%dma_wait3A_384, %dma_wait3A_386, %dma_wait3A_387] : memref<4x200x128xf32, #tpu.memory_space<vmem>> -> memref<1x200x128xf32, #tpu.memory_space<vmem>>
        %dma_wait3A_389 = tpu.memref_squeeze %dma_wait3A_388 : memref<1x200x128xf32, #tpu.memory_space<vmem>> -> memref<200x128xf32, #tpu.memory_space<vmem>>
        %dma_wait3A_390 = arith.constant 0 : i32
        %dma_wait3A_391 = arith.constant 0 : i32
        %dma_wait3A_392 = tpu.memref_slice %arg5[%mul3A_2, %dma_wait3A_390, %dma_wait3A_391] : memref<1024x200x128xf32, #tpu.memory_space<hbm>> -> memref<1x200x128xf32, #tpu.memory_space<hbm>>
        %dma_wait3A_393 = tpu.memref_squeeze %dma_wait3A_392 : memref<1x200x128xf32, #tpu.memory_space<hbm>> -> memref<200x128xf32, #tpu.memory_space<hbm>>
        %dma_wait3A_394 = tpu.memref_slice %arg10[%dma_wait3A_385] : memref<4x!tpu.dma_semaphore, #tpu.memory_space<semaphore_mem>> -> memref<1x!tpu.dma_semaphore, #tpu.memory_space<semaphore_mem>>
        %dma_wait3A_395 = tpu.memref_squeeze %dma_wait3A_394 : memref<1x!tpu.dma_semaphore, #tpu.memory_space<semaphore_mem>> -> memref<!tpu.dma_semaphore, #tpu.memory_space<semaphore_mem>>
        %dma_wait3A_396 = arith.constant 0 : i32
        %dma_wait3A_397 = arith.constant 0 : i32
        %dma_wait3A_398 = tpu.memref_slice %arg5[%mul3A_2, %dma_wait3A_396, %dma_wait3A_397] : memref<1024x200x128xf32, #tpu.memory_space<hbm>> -> memref<1x200x128xf32, #tpu.memory_space<hbm>>
        %dma_wait3A_399 = tpu.memref_squeeze %dma_wait3A_398 : memref<1x200x128xf32, #tpu.memory_space<hbm>> -> memref<200x128xf32, #tpu.memory_space<hbm>>
        %dma_wait3A_400 = arith.constant 0 : i32
        %dma_wait3A_401 = arith.constant 0 : i32
        %dma_wait3A_402 = tpu.memref_slice %arg8[%dma_wait3A_384, %dma_wait3A_400, %dma_wait3A_401] : memref<4x200x128xf32, #tpu.memory_space<vmem>> -> memref<1x200x128xf32, #tpu.memory_space<vmem>>
        %dma_wait3A_403 = tpu.memref_squeeze %dma_wait3A_402 : memref<1x200x128xf32, #tpu.memory_space<vmem>> -> memref<200x128xf32, #tpu.memory_space<vmem>>
        tpu.wait_dma2 semaphore(%dma_wait3A_395 : memref<!tpu.dma_semaphore, #tpu.memory_space<semaphore_mem>>) src(%dma_wait3A_403 : memref<200x128xf32, #tpu.memory_space<vmem>>) dst(%dma_wait3A_399 : memref<200x128xf32, #tpu.memory_space<hbm>>)
        %dma_start3A_404 = arith.constant 0 : i32
        %dma_start3A_405 = arith.constant 0 : i32
        %dma_start3A_406 = arith.constant 0 : i32
        %dma_start3A_407 = arith.constant 0 : i32
        %dma_start3A_408 = tpu.memref_slice %arg8[%dma_start3A_404, %dma_start3A_406, %dma_start3A_407] : memref<4x200x128xf32, #tpu.memory_space<vmem>> -> memref<1x200x128xf32, #tpu.memory_space<vmem>>
        %dma_start3A_409 = tpu.memref_squeeze %dma_start3A_408 : memref<1x200x128xf32, #tpu.memory_space<vmem>> -> memref<200x128xf32, #tpu.memory_space<vmem>>
        %dma_start3A_410 = arith.constant 0 : i32
        %dma_start3A_411 = tpu.memref_slice %arg6[%sub3A_211, %dma_start3A_410] : memref<32x200xi32, #tpu.memory_space<vmem>> -> memref<1x200xi32, #tpu.memory_space<vmem>>
        %dma_start3A_412 = tpu.memref_squeeze %dma_start3A_411 : memref<1x200xi32, #tpu.memory_space<vmem>> -> memref<200xi32, #tpu.memory_space<vmem>>
        %dma_start3A_413 = arith.constant 0 : i32
        %dma_start3A_414 = arith.constant 0 : i32
        %dma_start3A_415 = tpu.memref_slice %arg3[%dma_start3A_413, %dma_start3A_414] : memref<1000000x128xf32, #tpu.memory_space<hbm>> -> memref<1000000x128xf32, #tpu.memory_space<hbm>>
        %dma_start3A_416 = tpu.memref_slice %arg9[%dma_start3A_405] : memref<4x!tpu.dma_semaphore, #tpu.memory_space<semaphore_mem>> -> memref<1x!tpu.dma_semaphore, #tpu.memory_space<semaphore_mem>>
        %dma_start3A_417 = tpu.memref_squeeze %dma_start3A_416 : memref<1x!tpu.dma_semaphore, #tpu.memory_space<semaphore_mem>> -> memref<!tpu.dma_semaphore, #tpu.memory_space<semaphore_mem>>
        tpu.enqueue_indirect_dma source(%dma_start3A_415 : memref<1000000x128xf32, #tpu.memory_space<hbm>>) target(%dma_start3A_409 : memref<200x128xf32, #tpu.memory_space<vmem>>) offsets(%dma_start3A_412 : memref<200xi32, #tpu.memory_space<vmem>>) semaphore(%dma_start3A_417 : memref<!tpu.dma_semaphore, #tpu.memory_space<semaphore_mem>>)
      } else {
      }
      %dma_wait3A_220 = arith.constant 1 : i32
      %dma_wait3A_221 = arith.constant 1 : i32
      %dma_wait3A_222 = arith.constant 0 : i32
      %dma_wait3A_223 = arith.constant 0 : i32
      %dma_wait3A_224 = tpu.memref_slice %arg8[%dma_wait3A_220, %dma_wait3A_222, %dma_wait3A_223] : memref<4x200x128xf32, #tpu.memory_space<vmem>> -> memref<1x200x128xf32, #tpu.memory_space<vmem>>
      %dma_wait3A_225 = tpu.memref_squeeze %dma_wait3A_224 : memref<1x200x128xf32, #tpu.memory_space<vmem>> -> memref<200x128xf32, #tpu.memory_space<vmem>>
      %dma_wait3A_226 = arith.constant 0 : i32
      %dma_wait3A_227 = arith.constant 0 : i32
      %dma_wait3A_228 = tpu.memref_slice %arg3[%dma_wait3A_226, %dma_wait3A_227] : memref<1000000x128xf32, #tpu.memory_space<hbm>> -> memref<200x128xf32, #tpu.memory_space<hbm>>
      %dma_wait3A_229 = tpu.memref_slice %arg9[%dma_wait3A_221] : memref<4x!tpu.dma_semaphore, #tpu.memory_space<semaphore_mem>> -> memref<1x!tpu.dma_semaphore, #tpu.memory_space<semaphore_mem>>
      %dma_wait3A_230 = tpu.memref_squeeze %dma_wait3A_229 : memref<1x!tpu.dma_semaphore, #tpu.memory_space<semaphore_mem>> -> memref<!tpu.dma_semaphore, #tpu.memory_space<semaphore_mem>>
      %dma_wait3A_231 = arith.constant 0 : i32
      %dma_wait3A_232 = arith.constant 0 : i32
      %dma_wait3A_233 = tpu.memref_slice %arg8[%dma_wait3A_220, %dma_wait3A_231, %dma_wait3A_232] : memref<4x200x128xf32, #tpu.memory_space<vmem>> -> memref<1x200x128xf32, #tpu.memory_space<vmem>>
      %dma_wait3A_234 = tpu.memref_squeeze %dma_wait3A_233 : memref<1x200x128xf32, #tpu.memory_space<vmem>> -> memref<200x128xf32, #tpu.memory_space<vmem>>
      %dma_wait3A_235 = arith.constant 0 : i32
      %dma_wait3A_236 = arith.constant 0 : i32
      %dma_wait3A_237 = tpu.memref_slice %arg3[%dma_wait3A_235, %dma_wait3A_236] : memref<1000000x128xf32, #tpu.memory_space<hbm>> -> memref<200x128xf32, #tpu.memory_space<hbm>>
      tpu.wait_dma2 semaphore(%dma_wait3A_230 : memref<!tpu.dma_semaphore, #tpu.memory_space<semaphore_mem>>) src(%dma_wait3A_237 : memref<200x128xf32, #tpu.memory_space<hbm>>) dst(%dma_wait3A_234 : memref<200x128xf32, #tpu.memory_space<vmem>>)
      %scan3A_238 = arith.constant 0 : i32
      %scan3A_239 = arith.constant 200 : i32
      %scan3A_240 = arith.addi %scan3A_238, %scan3A_239 : i32
      %scan3A_241 = arith.constant 1 : i32
      scf.for %scan3A_384 = %scan3A_238 to %scan3A_240 step %scan3A_241  : i32 {
        %mul3A_385 = arith.constant 1 : i32
        %mul3A_386 = arith.muli %scan3A_384, %mul3A_385 : i32
        %add3A_387 = arith.constant 0 : i32
        %add3A_388 = arith.addi %add3A_387, %mul3A_386 : i32
        %get3A = arith.index_cast %add3A_388 : i32 to index
        %get3A_389 = arith.constant 0 : index
        %get3A_390 = tpu.vector_load %arg7[%get3A, %get3A_389] {strides = array<i32>} : memref<200x64xf32, #tpu.memory_space<vmem>>, vector<1x16xf32>,
        %get3A_391 = vector.shape_cast %get3A_390 : vector<1x16xf32> to vector<16xf32>
        %swap3A = arith.constant 1 : i32
        %swap3A_392 = arith.index_cast %swap3A : i32 to index
        %swap3A_393 = arith.index_cast %add3A_388 : i32 to index
        %swap3A_394 = arith.constant 0 : index
        %swap3A_395 = tpu.vector_load %arg8[%swap3A_392, %swap3A_393, %swap3A_394] {strides = array<i32>} : memref<4x200x128xf32, #tpu.memory_space<vmem>>, vector<1x1x16xf32>,
        %swap3A_396 = vector.shape_cast %swap3A_395 : vector<1x1x16xf32> to vector<16xf32>
        %swap3A_397 = vector.shape_cast %get3A_391 : vector<16xf32> to vector<1x1x16xf32>
        tpu.vector_store %arg8[%swap3A_392, %swap3A_393, %swap3A_394], %swap3A_397 {add = true, strides = array<i32>} : memref<4x200x128xf32, #tpu.memory_space<vmem>>, vector<1x1x16xf32>,
        %get3A_398 = arith.index_cast %add3A_388 : i32 to index
        %get3A_399 = arith.constant 16 : index
        %get3A_400 = tpu.vector_load %arg7[%get3A_398, %get3A_399] {strides = array<i32>} : memref<200x64xf32, #tpu.memory_space<vmem>>, vector<1x16xf32>,
        %get3A_401 = vector.shape_cast %get3A_400 : vector<1x16xf32> to vector<16xf32>
        %swap3A_402 = arith.constant 1 : i32
        %swap3A_403 = arith.index_cast %swap3A_402 : i32 to index
        %swap3A_404 = arith.index_cast %add3A_388 : i32 to index
        %swap3A_405 = arith.constant 16 : index
        %swap3A_406 = tpu.vector_load %arg8[%swap3A_403, %swap3A_404, %swap3A_405] {strides = array<i32>} : memref<4x200x128xf32, #tpu.memory_space<vmem>>, vector<1x1x16xf32>,
        %swap3A_407 = vector.shape_cast %swap3A_406 : vector<1x1x16xf32> to vector<16xf32>
        %swap3A_408 = vector.shape_cast %get3A_401 : vector<16xf32> to vector<1x1x16xf32>
        tpu.vector_store %arg8[%swap3A_403, %swap3A_404, %swap3A_405], %swap3A_408 {add = true, strides = array<i32>} : memref<4x200x128xf32, #tpu.memory_space<vmem>>, vector<1x1x16xf32>,
        %get3A_409 = arith.index_cast %add3A_388 : i32 to index
        %get3A_410 = arith.constant 32 : index
        %get3A_411 = tpu.vector_load %arg7[%get3A_409, %get3A_410] {strides = array<i32>} : memref<200x64xf32, #tpu.memory_space<vmem>>, vector<1x16xf32>,
        %get3A_412 = vector.shape_cast %get3A_411 : vector<1x16xf32> to vector<16xf32>
        %swap3A_413 = arith.constant 1 : i32
        %swap3A_414 = arith.index_cast %swap3A_413 : i32 to index
        %swap3A_415 = arith.index_cast %add3A_388 : i32 to index
        %swap3A_416 = arith.constant 32 : index
        %swap3A_417 = tpu.vector_load %arg8[%swap3A_414, %swap3A_415, %swap3A_416] {strides = array<i32>} : memref<4x200x128xf32, #tpu.memory_space<vmem>>, vector<1x1x16xf32>,
        %swap3A_418 = vector.shape_cast %swap3A_417 : vector<1x1x16xf32> to vector<16xf32>
        %swap3A_419 = vector.shape_cast %get3A_412 : vector<16xf32> to vector<1x1x16xf32>
        tpu.vector_store %arg8[%swap3A_414, %swap3A_415, %swap3A_416], %swap3A_419 {add = true, strides = array<i32>} : memref<4x200x128xf32, #tpu.memory_space<vmem>>, vector<1x1x16xf32>,
        %get3A_420 = arith.index_cast %add3A_388 : i32 to index
        %get3A_421 = arith.constant 48 : index
        %get3A_422 = tpu.vector_load %arg7[%get3A_420, %get3A_421] {strides = array<i32>} : memref<200x64xf32, #tpu.memory_space<vmem>>, vector<1x16xf32>,
        %get3A_423 = vector.shape_cast %get3A_422 : vector<1x16xf32> to vector<16xf32>
        %swap3A_424 = arith.constant 1 : i32
        %swap3A_425 = arith.index_cast %swap3A_424 : i32 to index
        %swap3A_426 = arith.index_cast %add3A_388 : i32 to index
        %swap3A_427 = arith.constant 48 : index
        %swap3A_428 = tpu.vector_load %arg8[%swap3A_425, %swap3A_426, %swap3A_427] {strides = array<i32>} : memref<4x200x128xf32, #tpu.memory_space<vmem>>, vector<1x1x16xf32>,
        %swap3A_429 = vector.shape_cast %swap3A_428 : vector<1x1x16xf32> to vector<16xf32>
        %swap3A_430 = vector.shape_cast %get3A_423 : vector<16xf32> to vector<1x1x16xf32>
        tpu.vector_store %arg8[%swap3A_425, %swap3A_426, %swap3A_427], %swap3A_430 {add = true, strides = array<i32>} : memref<4x200x128xf32, #tpu.memory_space<vmem>>, vector<1x1x16xf32>,
      }
      %scan3A_242 = arith.constant 200 : i32
      %add3A_243 = arith.addi %mul3A_2, %add3A_207 : i32
      %dma_start3A_244 = arith.constant 1 : i32
      %dma_start3A_245 = arith.constant 1 : i32
      %dma_start3A_246 = arith.constant 0 : i32
      %dma_start3A_247 = arith.constant 0 : i32
      %dma_start3A_248 = tpu.memref_slice %arg8[%dma_start3A_244, %dma_start3A_246, %dma_start3A_247] : memref<4x200x128xf32, #tpu.memory_space<vmem>> -> memref<1x200x128xf32, #tpu.memory_space<vmem>>
      %dma_start3A_249 = tpu.memref_squeeze %dma_start3A_248 : memref<1x200x128xf32, #tpu.memory_space<vmem>> -> memref<200x128xf32, #tpu.memory_space<vmem>>
      %dma_start3A_250 = arith.constant 0 : i32
      %dma_start3A_251 = arith.constant 0 : i32
      %dma_start3A_252 = tpu.memref_slice %arg5[%add3A_243, %dma_start3A_250, %dma_start3A_251] : memref<1024x200x128xf32, #tpu.memory_space<hbm>> -> memref<1x200x128xf32, #tpu.memory_space<hbm>>
      %dma_start3A_253 = tpu.memref_squeeze %dma_start3A_252 : memref<1x200x128xf32, #tpu.memory_space<hbm>> -> memref<200x128xf32, #tpu.memory_space<hbm>>
      %dma_start3A_254 = tpu.memref_slice %arg10[%dma_start3A_245] : memref<4x!tpu.dma_semaphore, #tpu.memory_space<semaphore_mem>> -> memref<1x!tpu.dma_semaphore, #tpu.memory_space<semaphore_mem>>
      %dma_start3A_255 = tpu.memref_squeeze %dma_start3A_254 : memref<1x!tpu.dma_semaphore, #tpu.memory_space<semaphore_mem>> -> memref<!tpu.dma_semaphore, #tpu.memory_space<semaphore_mem>>
      %dma_start3A_256 = arith.constant 0 : i32
      %dma_start3A_257 = arith.constant 0 : i32
      %dma_start3A_258 = tpu.memref_slice %arg5[%add3A_243, %dma_start3A_256, %dma_start3A_257] : memref<1024x200x128xf32, #tpu.memory_space<hbm>> -> memref<1x200x128xf32, #tpu.memory_space<hbm>>
      %dma_start3A_259 = tpu.memref_squeeze %dma_start3A_258 : memref<1x200x128xf32, #tpu.memory_space<hbm>> -> memref<200x128xf32, #tpu.memory_space<hbm>>
      %dma_start3A_260 = arith.constant 0 : i32
      %dma_start3A_261 = arith.constant 0 : i32
      %dma_start3A_262 = tpu.memref_slice %arg8[%dma_start3A_244, %dma_start3A_260, %dma_start3A_261] : memref<4x200x128xf32, #tpu.memory_space<vmem>> -> memref<1x200x128xf32, #tpu.memory_space<vmem>>
      %dma_start3A_263 = tpu.memref_squeeze %dma_start3A_262 : memref<1x200x128xf32, #tpu.memory_space<vmem>> -> memref<200x128xf32, #tpu.memory_space<vmem>>
      tpu.enqueue_dma source(%dma_start3A_263 : memref<200x128xf32, #tpu.memory_space<vmem>>) target(%dma_start3A_259 : memref<200x128xf32, #tpu.memory_space<hbm>>) target_semaphore(%dma_start3A_255 : memref<!tpu.dma_semaphore, #tpu.memory_space<semaphore_mem>>)
      %mul3A_264 = arith.constant 4 : i32
      %mul3A_265 = arith.muli %add3A_149, %mul3A_264 : i32
      %add3A_266 = arith.constant 2 : i32
      %add3A_267 = arith.addi %mul3A_265, %add3A_266 : i32
      %add3A_268 = arith.constant 4 : i32
      %add3A_269 = arith.addi %add3A_267, %add3A_268 : i32
      %sub3A_270 = arith.constant 1 : i32
      %sub3A_271 = arith.subi %add3A_269, %sub3A_270 : i32
      %ge3A_272 = arith.constant 1 : i32
      %ge3A_273 = arith.cmpi sge, %add3A_267, %ge3A_272 : i32
      %lt3A_274 = arith.constant 32 : i32
      %lt3A_275 = arith.cmpi slt, %sub3A_271, %lt3A_274 : i32
      %and3A_276 = arith.andi %ge3A_273, %lt3A_275 : i1
      %convert_element_type3A_277 = arith.extui %and3A_276 : i1 to i32
      %cond3A_278 = arith.constant 0 : i32
      %cond3A_279 = arith.cmpi ne, %convert_element_type3A_277, %cond3A_278 : i32
      scf.if %cond3A_279 {
        %dma_wait3A_384 = arith.constant 1 : i32
        %dma_wait3A_385 = arith.constant 1 : i32
        %dma_wait3A_386 = arith.constant 0 : i32
        %dma_wait3A_387 = arith.constant 0 : i32
        %dma_wait3A_388 = tpu.memref_slice %arg8[%dma_wait3A_384, %dma_wait3A_386, %dma_wait3A_387] : memref<4x200x128xf32, #tpu.memory_space<vmem>> -> memref<1x200x128xf32, #tpu.memory_space<vmem>>
        %dma_wait3A_389 = tpu.memref_squeeze %dma_wait3A_388 : memref<1x200x128xf32, #tpu.memory_space<vmem>> -> memref<200x128xf32, #tpu.memory_space<vmem>>
        %dma_wait3A_390 = arith.constant 0 : i32
        %dma_wait3A_391 = arith.constant 0 : i32
        %dma_wait3A_392 = tpu.memref_slice %arg5[%mul3A_2, %dma_wait3A_390, %dma_wait3A_391] : memref<1024x200x128xf32, #tpu.memory_space<hbm>> -> memref<1x200x128xf32, #tpu.memory_space<hbm>>
        %dma_wait3A_393 = tpu.memref_squeeze %dma_wait3A_392 : memref<1x200x128xf32, #tpu.memory_space<hbm>> -> memref<200x128xf32, #tpu.memory_space<hbm>>
        %dma_wait3A_394 = tpu.memref_slice %arg10[%dma_wait3A_385] : memref<4x!tpu.dma_semaphore, #tpu.memory_space<semaphore_mem>> -> memref<1x!tpu.dma_semaphore, #tpu.memory_space<semaphore_mem>>
        %dma_wait3A_395 = tpu.memref_squeeze %dma_wait3A_394 : memref<1x!tpu.dma_semaphore, #tpu.memory_space<semaphore_mem>> -> memref<!tpu.dma_semaphore, #tpu.memory_space<semaphore_mem>>
        %dma_wait3A_396 = arith.constant 0 : i32
        %dma_wait3A_397 = arith.constant 0 : i32
        %dma_wait3A_398 = tpu.memref_slice %arg5[%mul3A_2, %dma_wait3A_396, %dma_wait3A_397] : memref<1024x200x128xf32, #tpu.memory_space<hbm>> -> memref<1x200x128xf32, #tpu.memory_space<hbm>>
        %dma_wait3A_399 = tpu.memref_squeeze %dma_wait3A_398 : memref<1x200x128xf32, #tpu.memory_space<hbm>> -> memref<200x128xf32, #tpu.memory_space<hbm>>
        %dma_wait3A_400 = arith.constant 0 : i32
        %dma_wait3A_401 = arith.constant 0 : i32
        %dma_wait3A_402 = tpu.memref_slice %arg8[%dma_wait3A_384, %dma_wait3A_400, %dma_wait3A_401] : memref<4x200x128xf32, #tpu.memory_space<vmem>> -> memref<1x200x128xf32, #tpu.memory_space<vmem>>
        %dma_wait3A_403 = tpu.memref_squeeze %dma_wait3A_402 : memref<1x200x128xf32, #tpu.memory_space<vmem>> -> memref<200x128xf32, #tpu.memory_space<vmem>>
        tpu.wait_dma2 semaphore(%dma_wait3A_395 : memref<!tpu.dma_semaphore, #tpu.memory_space<semaphore_mem>>) src(%dma_wait3A_403 : memref<200x128xf32, #tpu.memory_space<vmem>>) dst(%dma_wait3A_399 : memref<200x128xf32, #tpu.memory_space<hbm>>)
        %dma_start3A_404 = arith.constant 1 : i32
        %dma_start3A_405 = arith.constant 1 : i32
        %dma_start3A_406 = arith.constant 0 : i32
        %dma_start3A_407 = arith.constant 0 : i32
        %dma_start3A_408 = tpu.memref_slice %arg8[%dma_start3A_404, %dma_start3A_406, %dma_start3A_407] : memref<4x200x128xf32, #tpu.memory_space<vmem>> -> memref<1x200x128xf32, #tpu.memory_space<vmem>>
        %dma_start3A_409 = tpu.memref_squeeze %dma_start3A_408 : memref<1x200x128xf32, #tpu.memory_space<vmem>> -> memref<200x128xf32, #tpu.memory_space<vmem>>
        %dma_start3A_410 = arith.constant 0 : i32
        %dma_start3A_411 = tpu.memref_slice %arg6[%sub3A_271, %dma_start3A_410] : memref<32x200xi32, #tpu.memory_space<vmem>> -> memref<1x200xi32, #tpu.memory_space<vmem>>
        %dma_start3A_412 = tpu.memref_squeeze %dma_start3A_411 : memref<1x200xi32, #tpu.memory_space<vmem>> -> memref<200xi32, #tpu.memory_space<vmem>>
        %dma_start3A_413 = arith.constant 0 : i32
        %dma_start3A_414 = arith.constant 0 : i32
        %dma_start3A_415 = tpu.memref_slice %arg3[%dma_start3A_413, %dma_start3A_414] : memref<1000000x128xf32, #tpu.memory_space<hbm>> -> memref<1000000x128xf32, #tpu.memory_space<hbm>>
        %dma_start3A_416 = tpu.memref_slice %arg9[%dma_start3A_405] : memref<4x!tpu.dma_semaphore, #tpu.memory_space<semaphore_mem>> -> memref<1x!tpu.dma_semaphore, #tpu.memory_space<semaphore_mem>>
        %dma_start3A_417 = tpu.memref_squeeze %dma_start3A_416 : memref<1x!tpu.dma_semaphore, #tpu.memory_space<semaphore_mem>> -> memref<!tpu.dma_semaphore, #tpu.memory_space<semaphore_mem>>
        tpu.enqueue_indirect_dma source(%dma_start3A_415 : memref<1000000x128xf32, #tpu.memory_space<hbm>>) target(%dma_start3A_409 : memref<200x128xf32, #tpu.memory_space<vmem>>) offsets(%dma_start3A_412 : memref<200xi32, #tpu.memory_space<vmem>>) semaphore(%dma_start3A_417 : memref<!tpu.dma_semaphore, #tpu.memory_space<semaphore_mem>>)
      } else {
      }
      %dma_wait3A_280 = arith.constant 2 : i32
      %dma_wait3A_281 = arith.constant 2 : i32
      %dma_wait3A_282 = arith.constant 0 : i32
      %dma_wait3A_283 = arith.constant 0 : i32
      %dma_wait3A_284 = tpu.memref_slice %arg8[%dma_wait3A_280, %dma_wait3A_282, %dma_wait3A_283] : memref<4x200x128xf32, #tpu.memory_space<vmem>> -> memref<1x200x128xf32, #tpu.memory_space<vmem>>
      %dma_wait3A_285 = tpu.memref_squeeze %dma_wait3A_284 : memref<1x200x128xf32, #tpu.memory_space<vmem>> -> memref<200x128xf32, #tpu.memory_space<vmem>>
      %dma_wait3A_286 = arith.constant 0 : i32
      %dma_wait3A_287 = arith.constant 0 : i32
      %dma_wait3A_288 = tpu.memref_slice %arg3[%dma_wait3A_286, %dma_wait3A_287] : memref<1000000x128xf32, #tpu.memory_space<hbm>> -> memref<200x128xf32, #tpu.memory_space<hbm>>
      %dma_wait3A_289 = tpu.memref_slice %arg9[%dma_wait3A_281] : memref<4x!tpu.dma_semaphore, #tpu.memory_space<semaphore_mem>> -> memref<1x!tpu.dma_semaphore, #tpu.memory_space<semaphore_mem>>
      %dma_wait3A_290 = tpu.memref_squeeze %dma_wait3A_289 : memref<1x!tpu.dma_semaphore, #tpu.memory_space<semaphore_mem>> -> memref<!tpu.dma_semaphore, #tpu.memory_space<semaphore_mem>>
      %dma_wait3A_291 = arith.constant 0 : i32
      %dma_wait3A_292 = arith.constant 0 : i32
      %dma_wait3A_293 = tpu.memref_slice %arg8[%dma_wait3A_280, %dma_wait3A_291, %dma_wait3A_292] : memref<4x200x128xf32, #tpu.memory_space<vmem>> -> memref<1x200x128xf32, #tpu.memory_space<vmem>>
      %dma_wait3A_294 = tpu.memref_squeeze %dma_wait3A_293 : memref<1x200x128xf32, #tpu.memory_space<vmem>> -> memref<200x128xf32, #tpu.memory_space<vmem>>
      %dma_wait3A_295 = arith.constant 0 : i32
      %dma_wait3A_296 = arith.constant 0 : i32
      %dma_wait3A_297 = tpu.memref_slice %arg3[%dma_wait3A_295, %dma_wait3A_296] : memref<1000000x128xf32, #tpu.memory_space<hbm>> -> memref<200x128xf32, #tpu.memory_space<hbm>>
      tpu.wait_dma2 semaphore(%dma_wait3A_290 : memref<!tpu.dma_semaphore, #tpu.memory_space<semaphore_mem>>) src(%dma_wait3A_297 : memref<200x128xf32, #tpu.memory_space<hbm>>) dst(%dma_wait3A_294 : memref<200x128xf32, #tpu.memory_space<vmem>>)
      %scan3A_298 = arith.constant 0 : i32
      %scan3A_299 = arith.constant 200 : i32
      %scan3A_300 = arith.addi %scan3A_298, %scan3A_299 : i32
      %scan3A_301 = arith.constant 1 : i32
      scf.for %scan3A_384 = %scan3A_298 to %scan3A_300 step %scan3A_301  : i32 {
        %mul3A_385 = arith.constant 1 : i32
        %mul3A_386 = arith.muli %scan3A_384, %mul3A_385 : i32
        %add3A_387 = arith.constant 0 : i32
        %add3A_388 = arith.addi %add3A_387, %mul3A_386 : i32
        %get3A = arith.index_cast %add3A_388 : i32 to index
        %get3A_389 = arith.constant 0 : index
        %get3A_390 = tpu.vector_load %arg7[%get3A, %get3A_389] {strides = array<i32>} : memref<200x64xf32, #tpu.memory_space<vmem>>, vector<1x16xf32>,
        %get3A_391 = vector.shape_cast %get3A_390 : vector<1x16xf32> to vector<16xf32>
        %swap3A = arith.constant 2 : i32
        %swap3A_392 = arith.index_cast %swap3A : i32 to index
        %swap3A_393 = arith.index_cast %add3A_388 : i32 to index
        %swap3A_394 = arith.constant 0 : index
        %swap3A_395 = tpu.vector_load %arg8[%swap3A_392, %swap3A_393, %swap3A_394] {strides = array<i32>} : memref<4x200x128xf32, #tpu.memory_space<vmem>>, vector<1x1x16xf32>,
        %swap3A_396 = vector.shape_cast %swap3A_395 : vector<1x1x16xf32> to vector<16xf32>
        %swap3A_397 = vector.shape_cast %get3A_391 : vector<16xf32> to vector<1x1x16xf32>
        tpu.vector_store %arg8[%swap3A_392, %swap3A_393, %swap3A_394], %swap3A_397 {add = true, strides = array<i32>} : memref<4x200x128xf32, #tpu.memory_space<vmem>>, vector<1x1x16xf32>,
        %get3A_398 = arith.index_cast %add3A_388 : i32 to index
        %get3A_399 = arith.constant 16 : index
        %get3A_400 = tpu.vector_load %arg7[%get3A_398, %get3A_399] {strides = array<i32>} : memref<200x64xf32, #tpu.memory_space<vmem>>, vector<1x16xf32>,
        %get3A_401 = vector.shape_cast %get3A_400 : vector<1x16xf32> to vector<16xf32>
        %swap3A_402 = arith.constant 2 : i32
        %swap3A_403 = arith.index_cast %swap3A_402 : i32 to index
        %swap3A_404 = arith.index_cast %add3A_388 : i32 to index
        %swap3A_405 = arith.constant 16 : index
        %swap3A_406 = tpu.vector_load %arg8[%swap3A_403, %swap3A_404, %swap3A_405] {strides = array<i32>} : memref<4x200x128xf32, #tpu.memory_space<vmem>>, vector<1x1x16xf32>,
        %swap3A_407 = vector.shape_cast %swap3A_406 : vector<1x1x16xf32> to vector<16xf32>
        %swap3A_408 = vector.shape_cast %get3A_401 : vector<16xf32> to vector<1x1x16xf32>
        tpu.vector_store %arg8[%swap3A_403, %swap3A_404, %swap3A_405], %swap3A_408 {add = true, strides = array<i32>} : memref<4x200x128xf32, #tpu.memory_space<vmem>>, vector<1x1x16xf32>,
        %get3A_409 = arith.index_cast %add3A_388 : i32 to index
        %get3A_410 = arith.constant 32 : index
        %get3A_411 = tpu.vector_load %arg7[%get3A_409, %get3A_410] {strides = array<i32>} : memref<200x64xf32, #tpu.memory_space<vmem>>, vector<1x16xf32>,
        %get3A_412 = vector.shape_cast %get3A_411 : vector<1x16xf32> to vector<16xf32>
        %swap3A_413 = arith.constant 2 : i32
        %swap3A_414 = arith.index_cast %swap3A_413 : i32 to index
        %swap3A_415 = arith.index_cast %add3A_388 : i32 to index
        %swap3A_416 = arith.constant 32 : index
        %swap3A_417 = tpu.vector_load %arg8[%swap3A_414, %swap3A_415, %swap3A_416] {strides = array<i32>} : memref<4x200x128xf32, #tpu.memory_space<vmem>>, vector<1x1x16xf32>,
        %swap3A_418 = vector.shape_cast %swap3A_417 : vector<1x1x16xf32> to vector<16xf32>
        %swap3A_419 = vector.shape_cast %get3A_412 : vector<16xf32> to vector<1x1x16xf32>
        tpu.vector_store %arg8[%swap3A_414, %swap3A_415, %swap3A_416], %swap3A_419 {add = true, strides = array<i32>} : memref<4x200x128xf32, #tpu.memory_space<vmem>>, vector<1x1x16xf32>,
        %get3A_420 = arith.index_cast %add3A_388 : i32 to index
        %get3A_421 = arith.constant 48 : index
        %get3A_422 = tpu.vector_load %arg7[%get3A_420, %get3A_421] {strides = array<i32>} : memref<200x64xf32, #tpu.memory_space<vmem>>, vector<1x16xf32>,
        %get3A_423 = vector.shape_cast %get3A_422 : vector<1x16xf32> to vector<16xf32>
        %swap3A_424 = arith.constant 2 : i32
        %swap3A_425 = arith.index_cast %swap3A_424 : i32 to index
        %swap3A_426 = arith.index_cast %add3A_388 : i32 to index
        %swap3A_427 = arith.constant 48 : index
        %swap3A_428 = tpu.vector_load %arg8[%swap3A_425, %swap3A_426, %swap3A_427] {strides = array<i32>} : memref<4x200x128xf32, #tpu.memory_space<vmem>>, vector<1x1x16xf32>,
        %swap3A_429 = vector.shape_cast %swap3A_428 : vector<1x1x16xf32> to vector<16xf32>
        %swap3A_430 = vector.shape_cast %get3A_423 : vector<16xf32> to vector<1x1x16xf32>
        tpu.vector_store %arg8[%swap3A_425, %swap3A_426, %swap3A_427], %swap3A_430 {add = true, strides = array<i32>} : memref<4x200x128xf32, #tpu.memory_space<vmem>>, vector<1x1x16xf32>,
      }
      %scan3A_302 = arith.constant 200 : i32
      %add3A_303 = arith.addi %mul3A_2, %add3A_267 : i32
      %dma_start3A_304 = arith.constant 2 : i32
      %dma_start3A_305 = arith.constant 2 : i32
      %dma_start3A_306 = arith.constant 0 : i32
      %dma_start3A_307 = arith.constant 0 : i32
      %dma_start3A_308 = tpu.memref_slice %arg8[%dma_start3A_304, %dma_start3A_306, %dma_start3A_307] : memref<4x200x128xf32, #tpu.memory_space<vmem>> -> memref<1x200x128xf32, #tpu.memory_space<vmem>>
      %dma_start3A_309 = tpu.memref_squeeze %dma_start3A_308 : memref<1x200x128xf32, #tpu.memory_space<vmem>> -> memref<200x128xf32, #tpu.memory_space<vmem>>
      %dma_start3A_310 = arith.constant 0 : i32
      %dma_start3A_311 = arith.constant 0 : i32
      %dma_start3A_312 = tpu.memref_slice %arg5[%add3A_303, %dma_start3A_310, %dma_start3A_311] : memref<1024x200x128xf32, #tpu.memory_space<hbm>> -> memref<1x200x128xf32, #tpu.memory_space<hbm>>
      %dma_start3A_313 = tpu.memref_squeeze %dma_start3A_312 : memref<1x200x128xf32, #tpu.memory_space<hbm>> -> memref<200x128xf32, #tpu.memory_space<hbm>>
      %dma_start3A_314 = tpu.memref_slice %arg10[%dma_start3A_305] : memref<4x!tpu.dma_semaphore, #tpu.memory_space<semaphore_mem>> -> memref<1x!tpu.dma_semaphore, #tpu.memory_space<semaphore_mem>>
      %dma_start3A_315 = tpu.memref_squeeze %dma_start3A_314 : memref<1x!tpu.dma_semaphore, #tpu.memory_space<semaphore_mem>> -> memref<!tpu.dma_semaphore, #tpu.memory_space<semaphore_mem>>
      %dma_start3A_316 = arith.constant 0 : i32
      %dma_start3A_317 = arith.constant 0 : i32
      %dma_start3A_318 = tpu.memref_slice %arg5[%add3A_303, %dma_start3A_316, %dma_start3A_317] : memref<1024x200x128xf32, #tpu.memory_space<hbm>> -> memref<1x200x128xf32, #tpu.memory_space<hbm>>
      %dma_start3A_319 = tpu.memref_squeeze %dma_start3A_318 : memref<1x200x128xf32, #tpu.memory_space<hbm>> -> memref<200x128xf32, #tpu.memory_space<hbm>>
      %dma_start3A_320 = arith.constant 0 : i32
      %dma_start3A_321 = arith.constant 0 : i32
      %dma_start3A_322 = tpu.memref_slice %arg8[%dma_start3A_304, %dma_start3A_320, %dma_start3A_321] : memref<4x200x128xf32, #tpu.memory_space<vmem>> -> memref<1x200x128xf32, #tpu.memory_space<vmem>>
      %dma_start3A_323 = tpu.memref_squeeze %dma_start3A_322 : memref<1x200x128xf32, #tpu.memory_space<vmem>> -> memref<200x128xf32, #tpu.memory_space<vmem>>
      tpu.enqueue_dma source(%dma_start3A_323 : memref<200x128xf32, #tpu.memory_space<vmem>>) target(%dma_start3A_319 : memref<200x128xf32, #tpu.memory_space<hbm>>) target_semaphore(%dma_start3A_315 : memref<!tpu.dma_semaphore, #tpu.memory_space<semaphore_mem>>)
      %mul3A_324 = arith.constant 4 : i32
      %mul3A_325 = arith.muli %add3A_149, %mul3A_324 : i32
      %add3A_326 = arith.constant 3 : i32
      %add3A_327 = arith.addi %mul3A_325, %add3A_326 : i32
      %add3A_328 = arith.constant 4 : i32
      %add3A_329 = arith.addi %add3A_327, %add3A_328 : i32
      %sub3A_330 = arith.constant 1 : i32
      %sub3A_331 = arith.subi %add3A_329, %sub3A_330 : i32
      %ge3A_332 = arith.constant 1 : i32
      %ge3A_333 = arith.cmpi sge, %add3A_327, %ge3A_332 : i32
      %lt3A_334 = arith.constant 32 : i32
      %lt3A_335 = arith.cmpi slt, %sub3A_331, %lt3A_334 : i32
      %and3A_336 = arith.andi %ge3A_333, %lt3A_335 : i1
      %convert_element_type3A_337 = arith.extui %and3A_336 : i1 to i32
      %cond3A_338 = arith.constant 0 : i32
      %cond3A_339 = arith.cmpi ne, %convert_element_type3A_337, %cond3A_338 : i32
      scf.if %cond3A_339 {
        %dma_wait3A_384 = arith.constant 2 : i32
        %dma_wait3A_385 = arith.constant 2 : i32
        %dma_wait3A_386 = arith.constant 0 : i32
        %dma_wait3A_387 = arith.constant 0 : i32
        %dma_wait3A_388 = tpu.memref_slice %arg8[%dma_wait3A_384, %dma_wait3A_386, %dma_wait3A_387] : memref<4x200x128xf32, #tpu.memory_space<vmem>> -> memref<1x200x128xf32, #tpu.memory_space<vmem>>
        %dma_wait3A_389 = tpu.memref_squeeze %dma_wait3A_388 : memref<1x200x128xf32, #tpu.memory_space<vmem>> -> memref<200x128xf32, #tpu.memory_space<vmem>>
        %dma_wait3A_390 = arith.constant 0 : i32
        %dma_wait3A_391 = arith.constant 0 : i32
        %dma_wait3A_392 = tpu.memref_slice %arg5[%mul3A_2, %dma_wait3A_390, %dma_wait3A_391] : memref<1024x200x128xf32, #tpu.memory_space<hbm>> -> memref<1x200x128xf32, #tpu.memory_space<hbm>>
        %dma_wait3A_393 = tpu.memref_squeeze %dma_wait3A_392 : memref<1x200x128xf32, #tpu.memory_space<hbm>> -> memref<200x128xf32, #tpu.memory_space<hbm>>
        %dma_wait3A_394 = tpu.memref_slice %arg10[%dma_wait3A_385] : memref<4x!tpu.dma_semaphore, #tpu.memory_space<semaphore_mem>> -> memref<1x!tpu.dma_semaphore, #tpu.memory_space<semaphore_mem>>
        %dma_wait3A_395 = tpu.memref_squeeze %dma_wait3A_394 : memref<1x!tpu.dma_semaphore, #tpu.memory_space<semaphore_mem>> -> memref<!tpu.dma_semaphore, #tpu.memory_space<semaphore_mem>>
        %dma_wait3A_396 = arith.constant 0 : i32
        %dma_wait3A_397 = arith.constant 0 : i32
        %dma_wait3A_398 = tpu.memref_slice %arg5[%mul3A_2, %dma_wait3A_396, %dma_wait3A_397] : memref<1024x200x128xf32, #tpu.memory_space<hbm>> -> memref<1x200x128xf32, #tpu.memory_space<hbm>>
        %dma_wait3A_399 = tpu.memref_squeeze %dma_wait3A_398 : memref<1x200x128xf32, #tpu.memory_space<hbm>> -> memref<200x128xf32, #tpu.memory_space<hbm>>
        %dma_wait3A_400 = arith.constant 0 : i32
        %dma_wait3A_401 = arith.constant 0 : i32
        %dma_wait3A_402 = tpu.memref_slice %arg8[%dma_wait3A_384, %dma_wait3A_400, %dma_wait3A_401] : memref<4x200x128xf32, #tpu.memory_space<vmem>> -> memref<1x200x128xf32, #tpu.memory_space<vmem>>
        %dma_wait3A_403 = tpu.memref_squeeze %dma_wait3A_402 : memref<1x200x128xf32, #tpu.memory_space<vmem>> -> memref<200x128xf32, #tpu.memory_space<vmem>>
        tpu.wait_dma2 semaphore(%dma_wait3A_395 : memref<!tpu.dma_semaphore, #tpu.memory_space<semaphore_mem>>) src(%dma_wait3A_403 : memref<200x128xf32, #tpu.memory_space<vmem>>) dst(%dma_wait3A_399 : memref<200x128xf32, #tpu.memory_space<hbm>>)
        %dma_start3A_404 = arith.constant 2 : i32
        %dma_start3A_405 = arith.constant 2 : i32
        %dma_start3A_406 = arith.constant 0 : i32
        %dma_start3A_407 = arith.constant 0 : i32
        %dma_start3A_408 = tpu.memref_slice %arg8[%dma_start3A_404, %dma_start3A_406, %dma_start3A_407] : memref<4x200x128xf32, #tpu.memory_space<vmem>> -> memref<1x200x128xf32, #tpu.memory_space<vmem>>
        %dma_start3A_409 = tpu.memref_squeeze %dma_start3A_408 : memref<1x200x128xf32, #tpu.memory_space<vmem>> -> memref<200x128xf32, #tpu.memory_space<vmem>>
        %dma_start3A_410 = arith.constant 0 : i32
        %dma_start3A_411 = tpu.memref_slice %arg6[%sub3A_331, %dma_start3A_410] : memref<32x200xi32, #tpu.memory_space<vmem>> -> memref<1x200xi32, #tpu.memory_space<vmem>>
        %dma_start3A_412 = tpu.memref_squeeze %dma_start3A_411 : memref<1x200xi32, #tpu.memory_space<vmem>> -> memref<200xi32, #tpu.memory_space<vmem>>
        %dma_start3A_413 = arith.constant 0 : i32
        %dma_start3A_414 = arith.constant 0 : i32
        %dma_start3A_415 = tpu.memref_slice %arg3[%dma_start3A_413, %dma_start3A_414] : memref<1000000x128xf32, #tpu.memory_space<hbm>> -> memref<1000000x128xf32, #tpu.memory_space<hbm>>
        %dma_start3A_416 = tpu.memref_slice %arg9[%dma_start3A_405] : memref<4x!tpu.dma_semaphore, #tpu.memory_space<semaphore_mem>> -> memref<1x!tpu.dma_semaphore, #tpu.memory_space<semaphore_mem>>
        %dma_start3A_417 = tpu.memref_squeeze %dma_start3A_416 : memref<1x!tpu.dma_semaphore, #tpu.memory_space<semaphore_mem>> -> memref<!tpu.dma_semaphore, #tpu.memory_space<semaphore_mem>>
        tpu.enqueue_indirect_dma source(%dma_start3A_415 : memref<1000000x128xf32, #tpu.memory_space<hbm>>) target(%dma_start3A_409 : memref<200x128xf32, #tpu.memory_space<vmem>>) offsets(%dma_start3A_412 : memref<200xi32, #tpu.memory_space<vmem>>) semaphore(%dma_start3A_417 : memref<!tpu.dma_semaphore, #tpu.memory_space<semaphore_mem>>)
      } else {
      }
      %dma_wait3A_340 = arith.constant 3 : i32
      %dma_wait3A_341 = arith.constant 3 : i32
      %dma_wait3A_342 = arith.constant 0 : i32
      %dma_wait3A_343 = arith.constant 0 : i32
      %dma_wait3A_344 = tpu.memref_slice %arg8[%dma_wait3A_340, %dma_wait3A_342, %dma_wait3A_343] : memref<4x200x128xf32, #tpu.memory_space<vmem>> -> memref<1x200x128xf32, #tpu.memory_space<vmem>>
      %dma_wait3A_345 = tpu.memref_squeeze %dma_wait3A_344 : memref<1x200x128xf32, #tpu.memory_space<vmem>> -> memref<200x128xf32, #tpu.memory_space<vmem>>
      %dma_wait3A_346 = arith.constant 0 : i32
      %dma_wait3A_347 = arith.constant 0 : i32
      %dma_wait3A_348 = tpu.memref_slice %arg3[%dma_wait3A_346, %dma_wait3A_347] : memref<1000000x128xf32, #tpu.memory_space<hbm>> -> memref<200x128xf32, #tpu.memory_space<hbm>>
      %dma_wait3A_349 = tpu.memref_slice %arg9[%dma_wait3A_341] : memref<4x!tpu.dma_semaphore, #tpu.memory_space<semaphore_mem>> -> memref<1x!tpu.dma_semaphore, #tpu.memory_space<semaphore_mem>>
      %dma_wait3A_350 = tpu.memref_squeeze %dma_wait3A_349 : memref<1x!tpu.dma_semaphore, #tpu.memory_space<semaphore_mem>> -> memref<!tpu.dma_semaphore, #tpu.memory_space<semaphore_mem>>
      %dma_wait3A_351 = arith.constant 0 : i32
      %dma_wait3A_352 = arith.constant 0 : i32
      %dma_wait3A_353 = tpu.memref_slice %arg8[%dma_wait3A_340, %dma_wait3A_351, %dma_wait3A_352] : memref<4x200x128xf32, #tpu.memory_space<vmem>> -> memref<1x200x128xf32, #tpu.memory_space<vmem>>
      %dma_wait3A_354 = tpu.memref_squeeze %dma_wait3A_353 : memref<1x200x128xf32, #tpu.memory_space<vmem>> -> memref<200x128xf32, #tpu.memory_space<vmem>>
      %dma_wait3A_355 = arith.constant 0 : i32
      %dma_wait3A_356 = arith.constant 0 : i32
      %dma_wait3A_357 = tpu.memref_slice %arg3[%dma_wait3A_355, %dma_wait3A_356] : memref<1000000x128xf32, #tpu.memory_space<hbm>> -> memref<200x128xf32, #tpu.memory_space<hbm>>
      tpu.wait_dma2 semaphore(%dma_wait3A_350 : memref<!tpu.dma_semaphore, #tpu.memory_space<semaphore_mem>>) src(%dma_wait3A_357 : memref<200x128xf32, #tpu.memory_space<hbm>>) dst(%dma_wait3A_354 : memref<200x128xf32, #tpu.memory_space<vmem>>)
      %scan3A_358 = arith.constant 0 : i32
      %scan3A_359 = arith.constant 200 : i32
      %scan3A_360 = arith.addi %scan3A_358, %scan3A_359 : i32
      %scan3A_361 = arith.constant 1 : i32
      scf.for %scan3A_384 = %scan3A_358 to %scan3A_360 step %scan3A_361  : i32 {
        %mul3A_385 = arith.constant 1 : i32
        %mul3A_386 = arith.muli %scan3A_384, %mul3A_385 : i32
        %add3A_387 = arith.constant 0 : i32
        %add3A_388 = arith.addi %add3A_387, %mul3A_386 : i32
        %get3A = arith.index_cast %add3A_388 : i32 to index
        %get3A_389 = arith.constant 0 : index
        %get3A_390 = tpu.vector_load %arg7[%get3A, %get3A_389] {strides = array<i32>} : memref<200x64xf32, #tpu.memory_space<vmem>>, vector<1x16xf32>,
        %get3A_391 = vector.shape_cast %get3A_390 : vector<1x16xf32> to vector<16xf32>
        %swap3A = arith.constant 3 : i32
        %swap3A_392 = arith.index_cast %swap3A : i32 to index
        %swap3A_393 = arith.index_cast %add3A_388 : i32 to index
        %swap3A_394 = arith.constant 0 : index
        %swap3A_395 = tpu.vector_load %arg8[%swap3A_392, %swap3A_393, %swap3A_394] {strides = array<i32>} : memref<4x200x128xf32, #tpu.memory_space<vmem>>, vector<1x1x16xf32>,
        %swap3A_396 = vector.shape_cast %swap3A_395 : vector<1x1x16xf32> to vector<16xf32>
        %swap3A_397 = vector.shape_cast %get3A_391 : vector<16xf32> to vector<1x1x16xf32>
        tpu.vector_store %arg8[%swap3A_392, %swap3A_393, %swap3A_394], %swap3A_397 {add = true, strides = array<i32>} : memref<4x200x128xf32, #tpu.memory_space<vmem>>, vector<1x1x16xf32>,
        %get3A_398 = arith.index_cast %add3A_388 : i32 to index
        %get3A_399 = arith.constant 16 : index
        %get3A_400 = tpu.vector_load %arg7[%get3A_398, %get3A_399] {strides = array<i32>} : memref<200x64xf32, #tpu.memory_space<vmem>>, vector<1x16xf32>,
        %get3A_401 = vector.shape_cast %get3A_400 : vector<1x16xf32> to vector<16xf32>
        %swap3A_402 = arith.constant 3 : i32
        %swap3A_403 = arith.index_cast %swap3A_402 : i32 to index
        %swap3A_404 = arith.index_cast %add3A_388 : i32 to index
        %swap3A_405 = arith.constant 16 : index
        %swap3A_406 = tpu.vector_load %arg8[%swap3A_403, %swap3A_404, %swap3A_405] {strides = array<i32>} : memref<4x200x128xf32, #tpu.memory_space<vmem>>, vector<1x1x16xf32>,
        %swap3A_407 = vector.shape_cast %swap3A_406 : vector<1x1x16xf32> to vector<16xf32>
        %swap3A_408 = vector.shape_cast %get3A_401 : vector<16xf32> to vector<1x1x16xf32>
        tpu.vector_store %arg8[%swap3A_403, %swap3A_404, %swap3A_405], %swap3A_408 {add = true, strides = array<i32>} : memref<4x200x128xf32, #tpu.memory_space<vmem>>, vector<1x1x16xf32>,
        %get3A_409 = arith.index_cast %add3A_388 : i32 to index
        %get3A_410 = arith.constant 32 : index
        %get3A_411 = tpu.vector_load %arg7[%get3A_409, %get3A_410] {strides = array<i32>} : memref<200x64xf32, #tpu.memory_space<vmem>>, vector<1x16xf32>,
        %get3A_412 = vector.shape_cast %get3A_411 : vector<1x16xf32> to vector<16xf32>
        %swap3A_413 = arith.constant 3 : i32
        %swap3A_414 = arith.index_cast %swap3A_413 : i32 to index
        %swap3A_415 = arith.index_cast %add3A_388 : i32 to index
        %swap3A_416 = arith.constant 32 : index
        %swap3A_417 = tpu.vector_load %arg8[%swap3A_414, %swap3A_415, %swap3A_416] {strides = array<i32>} : memref<4x200x128xf32, #tpu.memory_space<vmem>>, vector<1x1x16xf32>,
        %swap3A_418 = vector.shape_cast %swap3A_417 : vector<1x1x16xf32> to vector<16xf32>
        %swap3A_419 = vector.shape_cast %get3A_412 : vector<16xf32> to vector<1x1x16xf32>
        tpu.vector_store %arg8[%swap3A_414, %swap3A_415, %swap3A_416], %swap3A_419 {add = true, strides = array<i32>} : memref<4x200x128xf32, #tpu.memory_space<vmem>>, vector<1x1x16xf32>,
        %get3A_420 = arith.index_cast %add3A_388 : i32 to index
        %get3A_421 = arith.constant 48 : index
        %get3A_422 = tpu.vector_load %arg7[%get3A_420, %get3A_421] {strides = array<i32>} : memref<200x64xf32, #tpu.memory_space<vmem>>, vector<1x16xf32>,
        %get3A_423 = vector.shape_cast %get3A_422 : vector<1x16xf32> to vector<16xf32>
        %swap3A_424 = arith.constant 3 : i32
        %swap3A_425 = arith.index_cast %swap3A_424 : i32 to index
        %swap3A_426 = arith.index_cast %add3A_388 : i32 to index
        %swap3A_427 = arith.constant 48 : index
        %swap3A_428 = tpu.vector_load %arg8[%swap3A_425, %swap3A_426, %swap3A_427] {strides = array<i32>} : memref<4x200x128xf32, #tpu.memory_space<vmem>>, vector<1x1x16xf32>,
        %swap3A_429 = vector.shape_cast %swap3A_428 : vector<1x1x16xf32> to vector<16xf32>
        %swap3A_430 = vector.shape_cast %get3A_423 : vector<16xf32> to vector<1x1x16xf32>
        tpu.vector_store %arg8[%swap3A_425, %swap3A_426, %swap3A_427], %swap3A_430 {add = true, strides = array<i32>} : memref<4x200x128xf32, #tpu.memory_space<vmem>>, vector<1x1x16xf32>,
      }
      %scan3A_362 = arith.constant 200 : i32
      %add3A_363 = arith.addi %mul3A_2, %add3A_327 : i32
      %dma_start3A_364 = arith.constant 3 : i32
      %dma_start3A_365 = arith.constant 3 : i32
      %dma_start3A_366 = arith.constant 0 : i32
      %dma_start3A_367 = arith.constant 0 : i32
      %dma_start3A_368 = tpu.memref_slice %arg8[%dma_start3A_364, %dma_start3A_366, %dma_start3A_367] : memref<4x200x128xf32, #tpu.memory_space<vmem>> -> memref<1x200x128xf32, #tpu.memory_space<vmem>>
      %dma_start3A_369 = tpu.memref_squeeze %dma_start3A_368 : memref<1x200x128xf32, #tpu.memory_space<vmem>> -> memref<200x128xf32, #tpu.memory_space<vmem>>
      %dma_start3A_370 = arith.constant 0 : i32
      %dma_start3A_371 = arith.constant 0 : i32
      %dma_start3A_372 = tpu.memref_slice %arg5[%add3A_363, %dma_start3A_370, %dma_start3A_371] : memref<1024x200x128xf32, #tpu.memory_space<hbm>> -> memref<1x200x128xf32, #tpu.memory_space<hbm>>
      %dma_start3A_373 = tpu.memref_squeeze %dma_start3A_372 : memref<1x200x128xf32, #tpu.memory_space<hbm>> -> memref<200x128xf32, #tpu.memory_space<hbm>>
      %dma_start3A_374 = tpu.memref_slice %arg10[%dma_start3A_365] : memref<4x!tpu.dma_semaphore, #tpu.memory_space<semaphore_mem>> -> memref<1x!tpu.dma_semaphore, #tpu.memory_space<semaphore_mem>>
      %dma_start3A_375 = tpu.memref_squeeze %dma_start3A_374 : memref<1x!tpu.dma_semaphore, #tpu.memory_space<semaphore_mem>> -> memref<!tpu.dma_semaphore, #tpu.memory_space<semaphore_mem>>
      %dma_start3A_376 = arith.constant 0 : i32
      %dma_start3A_377 = arith.constant 0 : i32
      %dma_start3A_378 = tpu.memref_slice %arg5[%add3A_363, %dma_start3A_376, %dma_start3A_377] : memref<1024x200x128xf32, #tpu.memory_space<hbm>> -> memref<1x200x128xf32, #tpu.memory_space<hbm>>
      %dma_start3A_379 = tpu.memref_squeeze %dma_start3A_378 : memref<1x200x128xf32, #tpu.memory_space<hbm>> -> memref<200x128xf32, #tpu.memory_space<hbm>>
      %dma_start3A_380 = arith.constant 0 : i32
      %dma_start3A_381 = arith.constant 0 : i32
      %dma_start3A_382 = tpu.memref_slice %arg8[%dma_start3A_364, %dma_start3A_380, %dma_start3A_381] : memref<4x200x128xf32, #tpu.memory_space<vmem>> -> memref<1x200x128xf32, #tpu.memory_space<vmem>>
      %dma_start3A_383 = tpu.memref_squeeze %dma_start3A_382 : memref<1x200x128xf32, #tpu.memory_space<vmem>> -> memref<200x128xf32, #tpu.memory_space<vmem>>
      tpu.enqueue_dma source(%dma_start3A_383 : memref<200x128xf32, #tpu.memory_space<vmem>>) target(%dma_start3A_379 : memref<200x128xf32, #tpu.memory_space<hbm>>) target_semaphore(%dma_start3A_375 : memref<!tpu.dma_semaphore, #tpu.memory_space<semaphore_mem>>)
    }
    %scan3A_65 = arith.constant 8 : i32
    %dma_wait3A = arith.constant 0 : i32
    %dma_wait3A_66 = arith.constant 0 : i32
    %dma_wait3A_67 = arith.constant 0 : i32
    %dma_wait3A_68 = arith.constant 0 : i32
    %dma_wait3A_69 = tpu.memref_slice %arg8[%dma_wait3A, %dma_wait3A_67, %dma_wait3A_68] : memref<4x200x128xf32, #tpu.memory_space<vmem>> -> memref<1x200x128xf32, #tpu.memory_space<vmem>>
    %dma_wait3A_70 = tpu.memref_squeeze %dma_wait3A_69 : memref<1x200x128xf32, #tpu.memory_space<vmem>> -> memref<200x128xf32, #tpu.memory_space<vmem>>
    %dma_wait3A_71 = arith.constant 0 : i32
    %dma_wait3A_72 = arith.constant 0 : i32
    %dma_wait3A_73 = tpu.memref_slice %arg5[%mul3A_2, %dma_wait3A_71, %dma_wait3A_72] : memref<1024x200x128xf32, #tpu.memory_space<hbm>> -> memref<1x200x128xf32, #tpu.memory_space<hbm>>
    %dma_wait3A_74 = tpu.memref_squeeze %dma_wait3A_73 : memref<1x200x128xf32, #tpu.memory_space<hbm>> -> memref<200x128xf32, #tpu.memory_space<hbm>>
    %dma_wait3A_75 = tpu.memref_slice %arg10[%dma_wait3A_66] : memref<4x!tpu.dma_semaphore, #tpu.memory_space<semaphore_mem>> -> memref<1x!tpu.dma_semaphore, #tpu.memory_space<semaphore_mem>>
    %dma_wait3A_76 = tpu.memref_squeeze %dma_wait3A_75 : memref<1x!tpu.dma_semaphore, #tpu.memory_space<semaphore_mem>> -> memref<!tpu.dma_semaphore, #tpu.memory_space<semaphore_mem>>
    %dma_wait3A_77 = arith.constant 0 : i32
    %dma_wait3A_78 = arith.constant 0 : i32
    %dma_wait3A_79 = tpu.memref_slice %arg5[%mul3A_2, %dma_wait3A_77, %dma_wait3A_78] : memref<1024x200x128xf32, #tpu.memory_space<hbm>> -> memref<1x200x128xf32, #tpu.memory_space<hbm>>
    %dma_wait3A_80 = tpu.memref_squeeze %dma_wait3A_79 : memref<1x200x128xf32, #tpu.memory_space<hbm>> -> memref<200x128xf32, #tpu.memory_space<hbm>>
    %dma_wait3A_81 = arith.constant 0 : i32
    %dma_wait3A_82 = arith.constant 0 : i32
    %dma_wait3A_83 = tpu.memref_slice %arg8[%dma_wait3A, %dma_wait3A_81, %dma_wait3A_82] : memref<4x200x128xf32, #tpu.memory_space<vmem>> -> memref<1x200x128xf32, #tpu.memory_space<vmem>>
    %dma_wait3A_84 = tpu.memref_squeeze %dma_wait3A_83 : memref<1x200x128xf32, #tpu.memory_space<vmem>> -> memref<200x128xf32, #tpu.memory_space<vmem>>
    tpu.wait_dma2 semaphore(%dma_wait3A_76 : memref<!tpu.dma_semaphore, #tpu.memory_space<semaphore_mem>>) src(%dma_wait3A_84 : memref<200x128xf32, #tpu.memory_space<vmem>>) dst(%dma_wait3A_80 : memref<200x128xf32, #tpu.memory_space<hbm>>)
    %dma_wait3A_85 = arith.constant 1 : i32
    %dma_wait3A_86 = arith.constant 1 : i32
    %dma_wait3A_87 = arith.constant 0 : i32
    %dma_wait3A_88 = arith.constant 0 : i32
    %dma_wait3A_89 = tpu.memref_slice %arg8[%dma_wait3A_85, %dma_wait3A_87, %dma_wait3A_88] : memref<4x200x128xf32, #tpu.memory_space<vmem>> -> memref<1x200x128xf32, #tpu.memory_space<vmem>>
    %dma_wait3A_90 = tpu.memref_squeeze %dma_wait3A_89 : memref<1x200x128xf32, #tpu.memory_space<vmem>> -> memref<200x128xf32, #tpu.memory_space<vmem>>
    %dma_wait3A_91 = arith.constant 0 : i32
    %dma_wait3A_92 = arith.constant 0 : i32
    %dma_wait3A_93 = tpu.memref_slice %arg5[%mul3A_2, %dma_wait3A_91, %dma_wait3A_92] : memref<1024x200x128xf32, #tpu.memory_space<hbm>> -> memref<1x200x128xf32, #tpu.memory_space<hbm>>
    %dma_wait3A_94 = tpu.memref_squeeze %dma_wait3A_93 : memref<1x200x128xf32, #tpu.memory_space<hbm>> -> memref<200x128xf32, #tpu.memory_space<hbm>>
    %dma_wait3A_95 = tpu.memref_slice %arg10[%dma_wait3A_86] : memref<4x!tpu.dma_semaphore, #tpu.memory_space<semaphore_mem>> -> memref<1x!tpu.dma_semaphore, #tpu.memory_space<semaphore_mem>>
    %dma_wait3A_96 = tpu.memref_squeeze %dma_wait3A_95 : memref<1x!tpu.dma_semaphore, #tpu.memory_space<semaphore_mem>> -> memref<!tpu.dma_semaphore, #tpu.memory_space<semaphore_mem>>
    %dma_wait3A_97 = arith.constant 0 : i32
    %dma_wait3A_98 = arith.constant 0 : i32
    %dma_wait3A_99 = tpu.memref_slice %arg5[%mul3A_2, %dma_wait3A_97, %dma_wait3A_98] : memref<1024x200x128xf32, #tpu.memory_space<hbm>> -> memref<1x200x128xf32, #tpu.memory_space<hbm>>
    %dma_wait3A_100 = tpu.memref_squeeze %dma_wait3A_99 : memref<1x200x128xf32, #tpu.memory_space<hbm>> -> memref<200x128xf32, #tpu.memory_space<hbm>>
    %dma_wait3A_101 = arith.constant 0 : i32
    %dma_wait3A_102 = arith.constant 0 : i32
    %dma_wait3A_103 = tpu.memref_slice %arg8[%dma_wait3A_85, %dma_wait3A_101, %dma_wait3A_102] : memref<4x200x128xf32, #tpu.memory_space<vmem>> -> memref<1x200x128xf32, #tpu.memory_space<vmem>>
    %dma_wait3A_104 = tpu.memref_squeeze %dma_wait3A_103 : memref<1x200x128xf32, #tpu.memory_space<vmem>> -> memref<200x128xf32, #tpu.memory_space<vmem>>
    tpu.wait_dma2 semaphore(%dma_wait3A_96 : memref<!tpu.dma_semaphore, #tpu.memory_space<semaphore_mem>>) src(%dma_wait3A_104 : memref<200x128xf32, #tpu.memory_space<vmem>>) dst(%dma_wait3A_100 : memref<200x128xf32, #tpu.memory_space<hbm>>)
    %dma_wait3A_105 = arith.constant 2 : i32
    %dma_wait3A_106 = arith.constant 2 : i32
    %dma_wait3A_107 = arith.constant 0 : i32
    %dma_wait3A_108 = arith.constant 0 : i32
    %dma_wait3A_109 = tpu.memref_slice %arg8[%dma_wait3A_105, %dma_wait3A_107, %dma_wait3A_108] : memref<4x200x128xf32, #tpu.memory_space<vmem>> -> memref<1x200x128xf32, #tpu.memory_space<vmem>>
    %dma_wait3A_110 = tpu.memref_squeeze %dma_wait3A_109 : memref<1x200x128xf32, #tpu.memory_space<vmem>> -> memref<200x128xf32, #tpu.memory_space<vmem>>
    %dma_wait3A_111 = arith.constant 0 : i32
    %dma_wait3A_112 = arith.constant 0 : i32
    %dma_wait3A_113 = tpu.memref_slice %arg5[%mul3A_2, %dma_wait3A_111, %dma_wait3A_112] : memref<1024x200x128xf32, #tpu.memory_space<hbm>> -> memref<1x200x128xf32, #tpu.memory_space<hbm>>
    %dma_wait3A_114 = tpu.memref_squeeze %dma_wait3A_113 : memref<1x200x128xf32, #tpu.memory_space<hbm>> -> memref<200x128xf32, #tpu.memory_space<hbm>>
    %dma_wait3A_115 = tpu.memref_slice %arg10[%dma_wait3A_106] : memref<4x!tpu.dma_semaphore, #tpu.memory_space<semaphore_mem>> -> memref<1x!tpu.dma_semaphore, #tpu.memory_space<semaphore_mem>>
    %dma_wait3A_116 = tpu.memref_squeeze %dma_wait3A_115 : memref<1x!tpu.dma_semaphore, #tpu.memory_space<semaphore_mem>> -> memref<!tpu.dma_semaphore, #tpu.memory_space<semaphore_mem>>
    %dma_wait3A_117 = arith.constant 0 : i32
    %dma_wait3A_118 = arith.constant 0 : i32
    %dma_wait3A_119 = tpu.memref_slice %arg5[%mul3A_2, %dma_wait3A_117, %dma_wait3A_118] : memref<1024x200x128xf32, #tpu.memory_space<hbm>> -> memref<1x200x128xf32, #tpu.memory_space<hbm>>
    %dma_wait3A_120 = tpu.memref_squeeze %dma_wait3A_119 : memref<1x200x128xf32, #tpu.memory_space<hbm>> -> memref<200x128xf32, #tpu.memory_space<hbm>>
    %dma_wait3A_121 = arith.constant 0 : i32
    %dma_wait3A_122 = arith.constant 0 : i32
    %dma_wait3A_123 = tpu.memref_slice %arg8[%dma_wait3A_105, %dma_wait3A_121, %dma_wait3A_122] : memref<4x200x128xf32, #tpu.memory_space<vmem>> -> memref<1x200x128xf32, #tpu.memory_space<vmem>>
    %dma_wait3A_124 = tpu.memref_squeeze %dma_wait3A_123 : memref<1x200x128xf32, #tpu.memory_space<vmem>> -> memref<200x128xf32, #tpu.memory_space<vmem>>
    tpu.wait_dma2 semaphore(%dma_wait3A_116 : memref<!tpu.dma_semaphore, #tpu.memory_space<semaphore_mem>>) src(%dma_wait3A_124 : memref<200x128xf32, #tpu.memory_space<vmem>>) dst(%dma_wait3A_120 : memref<200x128xf32, #tpu.memory_space<hbm>>)
    %dma_wait3A_125 = arith.constant 3 : i32
    %dma_wait3A_126 = arith.constant 3 : i32
    %dma_wait3A_127 = arith.constant 0 : i32
    %dma_wait3A_128 = arith.constant 0 : i32
    %dma_wait3A_129 = tpu.memref_slice %arg8[%dma_wait3A_125, %dma_wait3A_127, %dma_wait3A_128] : memref<4x200x128xf32, #tpu.memory_space<vmem>> -> memref<1x200x128xf32, #tpu.memory_space<vmem>>
    %dma_wait3A_130 = tpu.memref_squeeze %dma_wait3A_129 : memref<1x200x128xf32, #tpu.memory_space<vmem>> -> memref<200x128xf32, #tpu.memory_space<vmem>>
    %dma_wait3A_131 = arith.constant 0 : i32
    %dma_wait3A_132 = arith.constant 0 : i32
    %dma_wait3A_133 = tpu.memref_slice %arg5[%mul3A_2, %dma_wait3A_131, %dma_wait3A_132] : memref<1024x200x128xf32, #tpu.memory_space<hbm>> -> memref<1x200x128xf32, #tpu.memory_space<hbm>>
    %dma_wait3A_134 = tpu.memref_squeeze %dma_wait3A_133 : memref<1x200x128xf32, #tpu.memory_space<hbm>> -> memref<200x128xf32, #tpu.memory_space<hbm>>
    %dma_wait3A_135 = tpu.memref_slice %arg10[%dma_wait3A_126] : memref<4x!tpu.dma_semaphore, #tpu.memory_space<semaphore_mem>> -> memref<1x!tpu.dma_semaphore, #tpu.memory_space<semaphore_mem>>
    %dma_wait3A_136 = tpu.memref_squeeze %dma_wait3A_135 : memref<1x!tpu.dma_semaphore, #tpu.memory_space<semaphore_mem>> -> memref<!tpu.dma_semaphore, #tpu.memory_space<semaphore_mem>>
    %dma_wait3A_137 = arith.constant 0 : i32
    %dma_wait3A_138 = arith.constant 0 : i32
    %dma_wait3A_139 = tpu.memref_slice %arg5[%mul3A_2, %dma_wait3A_137, %dma_wait3A_138] : memref<1024x200x128xf32, #tpu.memory_space<hbm>> -> memref<1x200x128xf32, #tpu.memory_space<hbm>>
    %dma_wait3A_140 = tpu.memref_squeeze %dma_wait3A_139 : memref<1x200x128xf32, #tpu.memory_space<hbm>> -> memref<200x128xf32, #tpu.memory_space<hbm>>
    %dma_wait3A_141 = arith.constant 0 : i32
    %dma_wait3A_142 = arith.constant 0 : i32
    %dma_wait3A_143 = tpu.memref_slice %arg8[%dma_wait3A_125, %dma_wait3A_141, %dma_wait3A_142] : memref<4x200x128xf32, #tpu.memory_space<vmem>> -> memref<1x200x128xf32, #tpu.memory_space<vmem>>
    %dma_wait3A_144 = tpu.memref_squeeze %dma_wait3A_143 : memref<1x200x128xf32, #tpu.memory_space<vmem>> -> memref<200x128xf32, #tpu.memory_space<vmem>>
    tpu.wait_dma2 semaphore(%dma_wait3A_136 : memref<!tpu.dma_semaphore, #tpu.memory_space<semaphore_mem>>) src(%dma_wait3A_144 : memref<200x128xf32, #tpu.memory_space<vmem>>) dst(%dma_wait3A_140 : memref<200x128xf32, #tpu.memory_space<hbm>>)
    return
  }
}

</mosaic_0001>

<sc_bundles>
// kernel: kernel.3.cloned.1.call-start
scs
__scs_entry_jumppad:
0x0: {  	(pc) =	sbr.rel $0x88, $3  }
0x1: {  	(tag) =	ssettag $0x0;
	lr =	simm.s32 $0x1  }
0x2: {  	[smem:$0x3F9E] =	sst lr;
	_ =	strace $0xD0000000  }
0x3: {  	_ = 	snop  }
0x4: {  	_ = 	snop  }
0x5: {  	_ = 	snop  }
0x6: {  	_ = 	snop  }
0x7: {  	_ = 	snop  }
__scs_overlays_trampoline_lowered:
0x8: {  	[smem:$0x3FAD] =	sst s0  }
0x9: {  	[smem:$0x3FAE] =	sst s1  }
0xa: {  	[smem:$0x3FAF] =	sst s2  }
0xb: {  	[smem:$0x3FB0] =	sst s3  }
0xc: {  	[smem:$0x3FB1] =	sst s4  }
0xd: {  	[smem:$0x3FB2] =	sst s5  }
0xe: {  	[smem:$0x3FB3] =	sst s6  }
0xf: {  	[smem:$0x3FB4] =	sst s7  }
0x10: {  	[smem:$0x3FB5] =	sst s8  }
0x11: {  	[smem:$0x3FB6] =	sst s9;
	s0 =	simm.s32 @!p0 $0x0  }
0x12: {  	s1 =	sld [smem:$0x3F9C];
	s0 =	simm.s32 @p0 $0x1  }
0x13: {  	[smem:$0x3FB7] =	sst s0;
	s0 =	simm.s32 @!p1 $0x0  }
0x14: {  	s2 =	sld [smem:$0x3F9B];
	s0 =	simm.s32 @p1 $0x1  }
0x15: {  	[smem:$0x3FB8] =	sst s0;
	s0 =	simm.s32 @!p2 $0x0  }
0x16: {  	s3 =	sld [smem:$0x3FDB];
	s0 =	simm.s32 @p2 $0x1  }
0x17: {  	s4 =	simm.s32 $0x1BF5;
	[smem:$0x3FBA] =	sst s0  }
0x18: {  	s0 =	sld [smem:$0x3F9D];
	_ =	swait.ge [sflag:s4], $0x0  }
0x19: {  	s7 =	sld [smem:$0x3F9E]  }
0x1a: {  	s8 =	sadd.s32 $0xFFFFE003, lr  }
0x1b: {  	s9 =	sadd.s32 $0xFFFFFEF7, lr;
	s5 =	simm.s32 $0xFFFFFFFF;
	p2 =	slt.u32 s8, $0xFFFFF086  }
0x1c: {  	p1 =	slt.u32 s9, $0xF7A;
	s5 =	simm.s32 @!p2 $0x0  }
0x1d: {  	s5 =	simm.s32 @p1 $0x1;
	p0 =	seq.s32 s7, s2  }
0x1e: {  	s7 =	smul.u32 @!p0 $0xF7A, s2;
	p2 =	seq.s32 @!p0 s5, $0x0  }
0x1f: {  	s9 =	smul.u32 $0xF7A, s1;
	s8 =	simm.s32 @!p0 $0x1BF5;
	p2 =	por !p2, p0  }
0x20: {  	[sflag:s8] =	ssyncset.s32 @!p0 $0xFFFFF086;
	s6 =	sadd.s32 @!p0 s3, s7;
	s7 =	simm.s32 @!p0 $0x108  }
0x21: {  	s3 =	sadd.s32 s3, s9;
	s6 =	sadd.s32 @!p0 $0x88, s6;
	s7 =	simm.s32 @p2 $0x1082  }
0x22: {  	[simem:s7], [sflag:s8] =	dma.local @!p0 [hbm:s6], $0xF7A  }
0x23: {  	s9 =	sor.u32 $0xD0000000, s2;
	s6 =	simm.s32 $0x108;
	_ =	swait.ge @!p0 [sflag:s8], $0x0  }
0x24: {  	s3 =	sadd.s32 $0x88, s3;
	s6 =	simm.s32 @!p1 $0x1082;
	[sflag:s4] =	ssyncset.s32 $0xFFFFF086  }
0x25: {  	[simem:s6], [sflag:s4] =	dma.local [hbm:s3], $0xF7A  }
0x26: {  	[smem:$0x3F9E] =	sst s1;
	(tag) =	ssettag s2;
	_ =	strace s9  }
0x27: {  	s1 =	sld [smem:$0x3FAE]  }
0x28: {  	s2 =	sld [smem:$0x3FAF]  }
0x29: {  	s4 =	sld [smem:$0x3FB1]  }
0x2a: {  	p0 =	seq.s32 s5, $0x0;
	s5 =	sld [smem:$0x3FB2]  }
0x2b: {  	s6 =	sld [smem:$0x3FB3]  }
0x2c: {  	s7 =	sld [smem:$0x3FB4]  }
0x2d: {  	s3 =	simm.s32 $0x108;
	s8 =	sld [smem:$0x3FB5]  }
0x2e: {  	s3 =	simm.s32 @!p0 $0x1082;
	s9 =	sld [smem:$0x3FB6]  }
0x2f: {  	lr =	sadd.s32 s0, s3;
	s0 =	sld [smem:$0x3FAD]  }
0x30: {  	s3 =	sld [smem:$0x3FB0]  }
0x31: {  	[smem:$0x3FB9] =	sst s10  }
0x32: {  	s10 =	sld [smem:$0x3FB7];
	_ =	sdelay $0x3  }
0x33: {  	p0 =	seq.s32 s10, $0x1;
	s10 =	sld [smem:$0x3FB9];
	_ =	sdelay $0x3  }
0x34: {  	[smem:$0x3FB9] =	sst s10  }
0x35: {  	s10 =	sld [smem:$0x3FB8];
	_ =	sdelay $0x3  }
0x36: {  	p1 =	seq.s32 s10, $0x1;
	s10 =	sld [smem:$0x3FB9];
	_ =	sdelay $0x3  }
0x37: {  	[smem:$0x3FB9] =	sst s10  }
0x38: {  	s10 =	sld [smem:$0x3FBA]  }
0x39: {  	_ = 	snop;
	(pc) =	sbr.ind lr, $3  }
0x3a: {  	_ = 	snop  }
0x3b: {  	_ = 	snop  }
0x3c: {  	p2 =	seq.s32 s10, $0x1;
	s10 =	sld [smem:$0x3FB9]  }
0x3d: {  	_ =	shalt  }
0x3e: {  	_ =	shalt  }
0x3f: {  	_ =	shalt  }
0x40: {  	_ =	shalt  }
0x41: {  	_ =	shalt  }
0x42: {  	_ =	shalt  }
0x43: {  	_ =	shalt  }
0x44: {  	_ =	shalt  }
0x45: {  	_ =	shalt  }
0x46: {  	_ =	shalt  }
0x47: {  	_ =	shalt  }
0x48: {  	_ =	shalt  }
0x49: {  	_ =	shalt  }
0x4a: {  	_ =	shalt  }
0x4b: {  	_ =	shalt  }
0x4c: {  	_ =	shalt  }
0x4d: {  	_ =	shalt  }
0x4e: {  	_ =	shalt  }
0x4f: {  	_ =	shalt  }
0x50: {  	_ =	shalt  }
0x51: {  	_ =	shalt  }
0x52: {  	_ =	shalt  }
0x53: {  	_ =	shalt  }
0x54: {  	_ =	shalt  }
0x55: {  	_ =	shalt  }
0x56: {  	_ =	shalt  }
0x57: {  	_ =	shalt  }
0x58: {  	_ =	shalt  }
0x59: {  	_ =	shalt  }
0x5a: {  	_ =	shalt  }
0x5b: {  	_ =	shalt  }
0x5c: {  	_ =	shalt  }
0x5d: {  	_ =	shalt  }
0x5e: {  	_ =	shalt  }
0x5f: {  	_ =	shalt  }
0x60: {  	_ =	shalt  }
0x61: {  	_ =	shalt  }
0x62: {  	_ =	shalt  }
0x63: {  	_ =	shalt  }
0x64: {  	_ =	shalt  }
0x65: {  	_ =	shalt  }
0x66: {  	_ =	shalt  }
0x67: {  	_ =	shalt  }
0x68: {  	_ =	shalt  }
0x69: {  	_ =	shalt  }
0x6a: {  	_ =	shalt  }
0x6b: {  	_ =	shalt  }
0x6c: {  	_ =	shalt  }
0x6d: {  	_ =	shalt  }
0x6e: {  	_ =	shalt  }
0x6f: {  	_ =	shalt  }
0x70: {  	_ =	shalt  }
0x71: {  	_ =	shalt  }
0x72: {  	_ =	shalt  }
0x73: {  	_ =	shalt  }
0x74: {  	_ =	shalt  }
0x75: {  	_ =	shalt  }
0x76: {  	_ =	shalt  }
0x77: {  	_ =	shalt  }
0x78: {  	_ =	shalt  }
0x79: {  	_ =	shalt  }
0x7a: {  	_ =	shalt  }
0x7b: {  	_ =	shalt  }
0x7c: {  	_ =	shalt  }
0x7d: {  	_ =	shalt  }
0x7e: {  	_ =	shalt  }
0x7f: {  	_ =	shalt  }
0x80: {  	_ =	shalt  }
0x81: {  	_ =	shalt  }
0x82: {  	_ =	shalt  }
0x83: {  	_ =	shalt  }
0x84: {  	_ =	shalt  }
0x85: {  	_ =	shalt  }
0x86: {  	_ =	shalt  }
0x87: {  	_ =	shalt  }
.Lfunc_end0:
.L_simem_size_0:
called_computation.1_lowered:
.L_overlay_start_0:
0x88: {  	s2 =	sld [smem:$0x3FD9]  }
0x89: {  	s3 =	sld [smem:$0x3FFE];
	_ =	sdelay $0x1  }
0x8a: {  	s1 =	srdreg.scid  }
0x8b: {  	s0 =	sand.u32 $0x1, s1  }
0x8c: {  	s17 =	sshll.u32 s0, $0xA;
	s2 =	sadd.s32 s3, s2  }
0x8d: {  	s2 =	sadd.s32 s2, s17  }
0x8e: {  	[smem:$0x3FC5] =	sst s2  }
0x8f: {  	_ = 	snop  }
0x90: {  	s2 =	sld [smem:$0x3FD0];
	(tm) =	ssettm $0x1  }
0x91: {  	s18 =	sld [smem:$0x3FFB];
	_ =	sdelay $0x3  }
0x92: {  	_ =	strace s18  }
0x93: {  	s3 =	sld [smem:$0x3FFC];
	_ =	sdelay $0x3  }
0x94: {  	_ =	strace s3  }
0x95: {  	s3 =	sld [smem:$0x3FFD];
	_ =	sdelay $0x3  }
0x96: {  	_ =	strace s3  }
0x97: {  	_ =	strace $0x8FFFFFFF  }
0x98: {  	s19 =	sld [smem:$0x3FDB];
	_ =	sdelay $0x1  }
0x99: {  	s4 =	simm.s32 $_scs_section_size  }
0x9a: {  	s5 =	simm.s32 $_size__tile_overlayer_lowered;
	s6 =	simm.s32 $_tile_overlayer_lowered  }
0x9b: {  	s22 =	simm.s32 $0x1BFF;
	s21 =	sshll.u32 s6, $0x1;
	s3 =	sadd.s32 s4, s19  }
0x9c: {  	s7 =	simm.s32 $0x0;
	s20 =	sshll.u32 s5, $0x1;
	s5 =	sadd.s32 s21, s3  }
0x9d: {  	[timem:s7], [sflag:s22] =	dma.local [hbm:s5], s20  }
0x9e: {  	_ =	swait.ge [sflag:s22], s20  }
0x9f: {  	s4 =	ssub.s32 $0x0, s20;
	[sflag:s22] =	ssyncset.done $0x0  }
0xa0: {  	[sflag:s22] =	ssyncadd.s32 s4;
	_ =	sdelay $0x1  }
0xa1: {  	s23 =	simm.s32 $0x1B8B  }
0xa2: {  	_ =	swait.ge [sflag:s23], $0x1  }
0xa3: {  	[sflag:s23] =	ssyncset.done $0x0  }
0xa4: {  	s25 =	simm.s32 $0x1B8E;
	s24 =	sld [smem:$0x3FFE];
	[sflag:s23] =	ssyncadd.s32 $0xFFFFFFFF  }
0xa5: {  	s26 =	simm.s32 $execute0_lowered;
	[smem:$0x3FD2] =	sst s25  }
0xa6: {  	s5 =	sshll.u32 s26, $0x1;
	_ =	strace $0x80000046;
	[dreg:$0x1] =	wrdreg $0xFFFFFFFF  }
0xa7: {  	s28 =	simm.s32 $_size_execute0_lowered;
	s3 =	sadd.s32 s3, s5;
	[dreg:$0x0] =	wrdreg $0x0  }
0xa8: {  	s5 =	sshll.u32 s28, $0x1;
	[dreg:$0x2] =	wrdreg s3  }
0xa9: {  	[dreg:$0x3] =	wrdreg s5  }
0xaa: {  	[dreg:$0x4] =	wrdreg $0xC0  }
0xab: {  	_ =	task [dreg:s7], $0x5FFFF  }
0xac: {  	[dreg:$0x1] =	wrdreg $0xFFFFFFFF  }
0xad: {  	[dreg:$0x0] =	wrdreg $0x60  }
0xae: {  	[dreg:$0x2] =	wrdreg s2  }
0xaf: {  	[dreg:$0x3] =	wrdreg s24  }
0xb0: {  	[dreg:$0x4] =	wrdreg $0x9  }
0xb1: {  	_ =	task.clear_ibuf [dreg:s7], $0x5FFFF;
	_ =	strace $0x90000046  }
0xb2: {  	s29 =	simm.s32 $0x9;
	_ =	strace $0x80000048  }
0xb3: {  	_ =	swait.ge [sflag:s29], $0x1  }
0xb4: {  	[sflag:s29] =	ssyncadd.s32 $0xFFFFFFFF  }
0xb5: {  	_ =	strace $0x90000048  }
0xb6: {  	_ =	sfence  }
0xb7: {  	s30 =	sld [smem:$0x0];
	_ =	sdelay $0x2  }
0xb8: {  	s31 =	sshll.u32 s1, $0xD;
	s1 =	sshrl.u32 s1, $0x2  }
0xb9: {  	s3 =	sand.u32 $0x4000, s31;
	s1 =	sadd.s32 s1, s30  }
0xba: {  	s0 =	sor.u32 s3, s0;
	s1 =	sshll.u32 s1, $0x11  }
0xbb: {  	s0 =	sor.u32 s1, s0  }
0xbc: {  	s0 =	sadd.s32 $0x8F2B, s0  }
0xbd: {  	[sflag:s0] =	ssyncadd.remote.s32 $0x1  }
0xbe: {  	_ =	sfence.sel $0xFFFF  }
0xbf: {  	[dreg:$0x0] =	wrdreg $0xFFFFFFFF;
	(pc) =	sbr.abs _section_cstart, $3  }
0xc0: {  	[dreg:$0x1] =	wrdreg $0xFFFFFFFF  }
0xc1: {  	_ =	task.clear_ibuf [dreg:s7], $0x2FFFF;
	_ =	strace $0x9FFFFFFF  }
0xc2: {  	(tm) =	ssettm $0x7FFFFFFF  }
0xc3: {  	_ =	shalt  }
tec
execute0_lowered:
.L_overlay_start_1:
0x0: {  	(tag) =	ssettag $0x1  }
0x1: {  	s0 =	rddreg [dreg:$0x0]  }
0x2: {  	s1 =	rddreg [dreg:$0x1];
	s2 =	srdreg.scid  }
0x3: {  	s5 =	stileid.u32;
	s11 =	simm.s32 $0xC8;
	s12 =	simm.s32 $0x4B00  }
0x4: {  	s13 =	simm.s32 $0xAF00;
	s15 =	simm.s32 $0x11300;
	s16 =	simm.s32 $0x258  }
0x5: {  	s17 =	simm.s32 $0x17700;
	s18 =	simm.s32 $0x1;
	s19 =	simm.s32 $0x2  }
0x6: {  	s20 =	simm.s32 $0x3;
	s21 =	simm.s32 $0x4;
	s22 =	simm.s32 $0x5  }
0x7: {  	s23 =	simm.s32 $0x6;
	s24 =	simm.s32 $0x7;
	s25 =	simm.s32 $0x8  }
0x8: {  	s26 =	simm.s32 $0x0;
	s3 =	sand.u32 $0x1, s2;
	s2 =	simm.s32 $0x0  }
0x9: {  	s5 =	sshll.u32 s5, $0x5;
	s4 =	sshll.u32 s3, $0x9;
	[smem:$0x7FF] =	sst s2  }
0xa: {  	s6 =	ssub.s32 $0x2, s3;
	s3 =	sor.u32 s5, s4;
	_ =	strace $0x80000047  }
0xb: {  	s7 =	sshrl.u32 s6, $0x1;
	s4 =	sadd.s32 $0xF44000, s1;
	s8 =	smul.u32 $0x19, s3  }
0xc: {  	s5 =	sadd.s32 $0xF43000, s1;
	s9 =	ssub.s32 s6, s7;
	s6 =	sadd.s32 $0xC00, s1  }
0xd: {  	s7 =	sadd.s32 s0, s8;
	s8 =	smax.u32 s9, $0x1;
	s9 =	simm.s32 $0x9  }
.LBB2_1:
0xe: {  	[tilespmem:s2], [sflag:$0x9] =	stream.linear.gather [hbm4b:s7+s2], $0x1900, $0x38;
	[tilespmem:$0x1DB00] =	vst v63  }
0xf: {  	_ =	swait.ge [sflag:s9], $0x1900  }
0x10: {  	[sflag:s9] =	ssyncset.done $0x0  }
0x11: {  	s0 =	simm.s32 $0x1900;
	[sflag:s9] =	ssyncadd.s32 $0xFFFFE700  }
0x12: {  	[tilespmem:s0], [sflag:$0x9] =	stream.linear.gather [hbm4b:s5+s2], $0x3200, $0x38;
	[tilespmem:$0x1DB00] =	vst v63  }
0x13: {  	_ =	swait.ge [sflag:s9], $0x3200  }
0x14: {  	[sflag:s9] =	ssyncset.done $0x0  }
0x15: {  	[sflag:s9] =	ssyncadd.s32 $0xFFFFCE00  }
0x16: {  	[tilespmem:s12], [sflag:$0x1] =	stream.indirect.gather [hbm4b:s4+s11], $0x80, s2, s11, $0xb8;
	[tilespmem:$0x1DB00] =	vst v63  }
0x17: {  	_ = 	snop  }
0x18: {  	[tilespmem:s13], [sflag:$0x2] =	stream.indirect.gather [hbm4b:s4+s11], $0x80, s11, s11, $0xb8;
	[tilespmem:$0x1DB00] =	vst v63  }
0x19: {  	s31 =	simm.s32 $0x190  }
0x1a: {  	[tilespmem:s15], [sflag:$0x3] =	stream.indirect.gather [hbm4b:s4+s11], $0x80, s31, s11, $0xb8;
	[tilespmem:$0x1DB00] =	vst v63  }
0x1b: {  	s28 =	simm.s32 $0x0  }
0x1c: {  	[tilespmem:s17], [sflag:$0x4] =	stream.indirect.gather [hbm4b:s4+s11], $0x80, s16, s11, $0xb8;
	[tilespmem:$0x1DB00] =	vst v63  }
.LBB2_2:
0x1d: {  	p0 =	seq.s32 s28, $0x0  }
0x1e: {  	s29 =	sshllo.u32 s28, $0x2;
	s0 =	simm.s32 @!p0 $0x8  }
0x1f: {  	s1 =	smul.u32 @!p0 $0x320, s29;
	_ =	swait.ge @!p0 [sflag:s0], $0x6400  }
0x20: {  	s10 =	simm.s32 @!p0 $0x17700;
	[sflag:s0] =	ssyncset.done @!p0 $0x0  }
0x21: {  	[sflag:s0] =	ssyncadd.s32 @!p0 $0xFFFF9C00;
	s0 =	sshra.s32 @!p0 s1, $0x2;
	s1 =	simm.s32 @!p0 $0xC8  }
0x22: {  	[tilespmem:s10], [sflag:$0x4] =	stream.indirect.gather @!p0 [hbm4b:s4+s1], $0x80, s0, s1, $0xb8;
	[tilespmem:$0x1DB00] =	vst v63  }
0x23: {  	_ =	swait.ge [sflag:s18], $0x6400  }
0x24: {  	[sflag:s18] =	ssyncset.done $0x0  }
0x25: {  	s31 =	simm.s32 $0x30;
	[sflag:s18] =	ssyncadd.s32 $0xFFFF9C00  }
0x26: {  	v0 =	vld [tilespmem:s31+$0x18D0];
	_ =	sdelay $0x3  }
0x27: {  	s0 =	simm.s32 $0x4B30  }
0x28: {  	[tilespmem:s0+$0xFFFFFFD0] =	vst.add.f32.msk $0xffff, v0  }
0x29: {  	v0 =	vld [tilespmem:s31+$0x18E0];
	_ =	sdelay $0x4  }
0x2a: {  	[tilespmem:s0+$0xFFFFFFE0] =	vst.add.f32.msk $0xffff, v0  }
0x2b: {  	v0 =	vld [tilespmem:s31+$0x18F0];
	_ =	sdelay $0x4  }
0x2c: {  	[tilespmem:s0+$0xFFFFFFF0] =	vst.add.f32.msk $0xffff, v0  }
0x2d: {  	v0 =	vld [tilespmem:s31+$0x1900];
	_ =	sdelay $0x4  }
0x2e: {  	s30 =	sshll.u32 s28, $0x2;
	s1 =	simm.s32 $0x70;
	s10 =	simm.s32 $0x2C0;
	[tilespmem:s0+$0x0] =	vst.add.f32.msk $0xffff, v0  }
.LBB2_3:
0x2f: {  	p0 =	sne.s32 s10, $0xC7C0;
	v0 =	vld [tilespmem:s1+$0x18D0];
	_ =	sdelay $0x3  }
0x30: {  	s0 =	sadd.s32 $0x80, s0  }
0x31: {  	[tilespmem:s0+$0xFFFFFFD0] =	vst.add.f32.msk $0xffff, v0  }
0x32: {  	v0 =	vld [tilespmem:s1+$0x18E0];
	_ =	sdelay $0x4  }
0x33: {  	[tilespmem:s0+$0xFFFFFFE0] =	vst.add.f32.msk $0xffff, v0  }
0x34: {  	v0 =	vld [tilespmem:s1+$0x18F0];
	_ =	sdelay $0x4  }
0x35: {  	[tilespmem:s0+$0xFFFFFFF0] =	vst.add.f32.msk $0xffff, v0  }
0x36: {  	v0 =	vld [tilespmem:s1+$0x1900]  }
.Ltmp0:
0x37: {  	(pc) =	sbr.rel @p0 .LBB2_3-.Ltmp0, $2  }
0x38: {  	_ =	sdelay $0x2  }
0x39: {  	s1 =	sshra.s32 s10, $0x2;
	s10 =	sadd.s32 $0x100, s10;
	[tilespmem:s0+$0x0] =	vst.add.f32.msk $0xffff, v0  }
0x3a: {  	v0 =	vld [tilespmem:s1+$0x18D0];
	_ =	sdelay $0x3  }
0x3b: {  	s0 =	sadd.s32 $0x80, s0  }
0x3c: {  	[tilespmem:s0+$0xFFFFFFD0] =	vst.add.f32.msk $0xffff, v0  }
0x3d: {  	v0 =	vld [tilespmem:s1+$0x18E0];
	_ =	sdelay $0x4  }
0x3e: {  	[tilespmem:s0+$0xFFFFFFE0] =	vst.add.f32.msk $0xffff, v0  }
0x3f: {  	v0 =	vld [tilespmem:s1+$0x18F0];
	_ =	sdelay $0x4  }
0x40: {  	[tilespmem:s0+$0xFFFFFFF0] =	vst.add.f32.msk $0xffff, v0  }
0x41: {  	v0 =	vld [tilespmem:s1+$0x1900];
	_ =	sdelay $0x1  }
0x42: {  	s14 =	sadd.s32 s3, s30  }
0x43: {  	s1 =	smul.u32 $0xC80, s14  }
0x44: {  	p0 =	seq.s32 s28, $0x7  }
0x45: {  	s10 =	sadd.s32 s6, s1;
	s1 =	smul.u32 @!p0 $0xC80, s28;
	[tilespmem:s0+$0x0] =	vst.add.f32.msk $0xffff, v0;
	s0 =	simm.s32 @!p0 $0x5  }
0x46: {  	[hbm4b:s10+s2] =	stream.linear.scatter [tilespmem:s12], [sflag:$0x5], $0x6400, $0x38;
	[tilespmem:$0x1DB00] =	vst v63  }
0x47: {  	_ =	swait.ge @!p0 [sflag:s0], $0x6400  }
0x48: {  	s31 =	sshra.s32 @!p0 s1, $0x2;
	s1 =	simm.s32 @!p0 $0xC8;
	[sflag:s0] =	ssyncset.done @!p0 $0x0  }
0x49: {  	s10 =	simm.s32 @!p0 $0x4B00;
	[sflag:s0] =	ssyncadd.s32 @!p0 $0xFFFF9C00;
	s0 =	sadd.s32 @!p0 $0x320, s31  }
0x4a: {  	[tilespmem:s10], [sflag:$0x1] =	stream.indirect.gather @!p0 [hbm4b:s4+s1], $0x80, s0, s1, $0xb8;
	[tilespmem:$0x1DB00] =	vst v63  }
0x4b: {  	_ =	swait.ge [sflag:s19], $0x6400  }
0x4c: {  	[sflag:s19] =	ssyncset.done $0x0  }
0x4d: {  	s14 =	simm.s32 $0x30;
	[sflag:s19] =	ssyncadd.s32 $0xFFFF9C00  }
0x4e: {  	v63 =	vld [tilespmem:s14+$0x18D0];
	_ =	sdelay $0x3  }
0x4f: {  	s1 =	simm.s32 $0xAF30  }
0x50: {  	[tilespmem:s1+$0xFFFFFFD0] =	vst.add.f32.msk $0xffff, v63  }
0x51: {  	v0 =	vld [tilespmem:s14+$0x18E0];
	_ =	sdelay $0x4  }
0x52: {  	[tilespmem:s1+$0xFFFFFFE0] =	vst.add.f32.msk $0xffff, v0  }
0x53: {  	v0 =	vld [tilespmem:s14+$0x18F0];
	_ =	sdelay $0x4  }
0x54: {  	[tilespmem:s1+$0xFFFFFFF0] =	vst.add.f32.msk $0xffff, v0  }
0x55: {  	v0 =	vld [tilespmem:s14+$0x1900];
	_ =	sdelay $0x4  }
0x56: {  	s0 =	sor.u32 $0x1, s30;
	s10 =	simm.s32 $0x70;
	s14 =	simm.s32 $0x2C0;
	[tilespmem:s1+$0x0] =	vst.add.f32.msk $0xffff, v0  }
.LBB2_5:
0x57: {  	p1 =	sne.s32 s14, $0xC7C0;
	v0 =	vld [tilespmem:s10+$0x18D0];
	_ =	sdelay $0x3  }
0x58: {  	s1 =	sadd.s32 $0x80, s1  }
0x59: {  	[tilespmem:s1+$0xFFFFFFD0] =	vst.add.f32.msk $0xffff, v0  }
0x5a: {  	v0 =	vld [tilespmem:s10+$0x18E0];
	_ =	sdelay $0x4  }
0x5b: {  	[tilespmem:s1+$0xFFFFFFE0] =	vst.add.f32.msk $0xffff, v0  }
0x5c: {  	v0 =	vld [tilespmem:s10+$0x18F0];
	_ =	sdelay $0x4  }
0x5d: {  	[tilespmem:s1+$0xFFFFFFF0] =	vst.add.f32.msk $0xffff, v0  }
0x5e: {  	v0 =	vld [tilespmem:s10+$0x1900]  }
.Ltmp1:
0x5f: {  	(pc) =	sbr.rel @p1 .LBB2_5-.Ltmp1, $2  }
0x60: {  	_ =	sdelay $0x2  }
0x61: {  	s10 =	sshra.s32 s14, $0x2;
	s14 =	sadd.s32 $0x100, s14;
	[tilespmem:s1+$0x0] =	vst.add.f32.msk $0xffff, v0  }
0x62: {  	v0 =	vld [tilespmem:s10+$0x18D0];
	_ =	sdelay $0x3  }
0x63: {  	s1 =	sadd.s32 $0x80, s1  }
0x64: {  	[tilespmem:s1+$0xFFFFFFD0] =	vst.add.f32.msk $0xffff, v0  }
0x65: {  	v0 =	vld [tilespmem:s10+$0x18E0];
	_ =	sdelay $0x4  }
0x66: {  	[tilespmem:s1+$0xFFFFFFE0] =	vst.add.f32.msk $0xffff, v0  }
0x67: {  	v0 =	vld [tilespmem:s10+$0x18F0];
	_ =	sdelay $0x4  }
0x68: {  	[tilespmem:s1+$0xFFFFFFF0] =	vst.add.f32.msk $0xffff, v0  }
0x69: {  	v0 =	vld [tilespmem:s10+$0x1900];
	_ =	sdelay $0x1  }
0x6a: {  	s0 =	sadd.s32 s3, s0  }
0x6b: {  	s0 =	smul.u32 $0xC80, s0;
	_ =	sdelay $0x1  }
0x6c: {  	s0 =	sadd.s32 s6, s0;
	[tilespmem:s1+$0x0] =	vst.add.f32.msk $0xffff, v0  }
0x6d: {  	[hbm4b:s0+s2] =	stream.linear.scatter [tilespmem:s13], [sflag:$0x6], $0x6400, $0x38;
	[tilespmem:$0x1DB00] =	vst v63  }
0x6e: {  	s0 =	simm.s32 @!p0 $0x6  }
0x6f: {  	_ =	swait.ge @!p0 [sflag:s0], $0x6400  }
0x70: {  	s10 =	simm.s32 @!p0 $0xAF00;
	[sflag:s0] =	ssyncset.done @!p0 $0x0  }
0x71: {  	s1 =	simm.s32 @!p0 $0xC8;
	[sflag:s0] =	ssyncadd.s32 @!p0 $0xFFFF9C00;
	s0 =	sadd.s32 @!p0 $0x3E8, s31  }
0x72: {  	[tilespmem:s10], [sflag:$0x2] =	stream.indirect.gather @!p0 [hbm4b:s4+s1], $0x80, s0, s1, $0xb8;
	[tilespmem:$0x1DB00] =	vst v63  }
0x73: {  	_ =	swait.ge [sflag:s20], $0x6400  }
0x74: {  	[sflag:s20] =	ssyncset.done $0x0  }
0x75: {  	s14 =	simm.s32 $0x30;
	[sflag:s20] =	ssyncadd.s32 $0xFFFF9C00  }
0x76: {  	v63 =	vld [tilespmem:s14+$0x18D0];
	_ =	sdelay $0x3  }
0x77: {  	s1 =	simm.s32 $0x11330  }
0x78: {  	[tilespmem:s1+$0xFFFFFFD0] =	vst.add.f32.msk $0xffff, v63  }
0x79: {  	v0 =	vld [tilespmem:s14+$0x18E0];
	_ =	sdelay $0x4  }
0x7a: {  	[tilespmem:s1+$0xFFFFFFE0] =	vst.add.f32.msk $0xffff, v0  }
0x7b: {  	v0 =	vld [tilespmem:s14+$0x18F0];
	_ =	sdelay $0x4  }
0x7c: {  	[tilespmem:s1+$0xFFFFFFF0] =	vst.add.f32.msk $0xffff, v0  }
0x7d: {  	v0 =	vld [tilespmem:s14+$0x1900];
	_ =	sdelay $0x4  }
0x7e: {  	s0 =	sor.u32 $0x2, s30;
	s10 =	simm.s32 $0x70;
	s14 =	simm.s32 $0x2C0;
	[tilespmem:s1+$0x0] =	vst.add.f32.msk $0xffff, v0  }
.LBB2_7:
0x7f: {  	p1 =	sne.s32 s14, $0xC7C0;
	v0 =	vld [tilespmem:s10+$0x18D0];
	_ =	sdelay $0x3  }
0x80: {  	s1 =	sadd.s32 $0x80, s1  }
0x81: {  	[tilespmem:s1+$0xFFFFFFD0] =	vst.add.f32.msk $0xffff, v0  }
0x82: {  	v0 =	vld [tilespmem:s10+$0x18E0];
	_ =	sdelay $0x4  }
0x83: {  	[tilespmem:s1+$0xFFFFFFE0] =	vst.add.f32.msk $0xffff, v0  }
0x84: {  	v0 =	vld [tilespmem:s10+$0x18F0];
	_ =	sdelay $0x4  }
0x85: {  	[tilespmem:s1+$0xFFFFFFF0] =	vst.add.f32.msk $0xffff, v0  }
0x86: {  	v0 =	vld [tilespmem:s10+$0x1900]  }
.Ltmp2:
0x87: {  	(pc) =	sbr.rel @p1 .LBB2_7-.Ltmp2, $2  }
0x88: {  	_ =	sdelay $0x2  }
0x89: {  	s10 =	sshra.s32 s14, $0x2;
	s14 =	sadd.s32 $0x100, s14;
	[tilespmem:s1+$0x0] =	vst.add.f32.msk $0xffff, v0  }
0x8a: {  	v0 =	vld [tilespmem:s10+$0x18D0];
	_ =	sdelay $0x3  }
0x8b: {  	s1 =	sadd.s32 $0x80, s1  }
0x8c: {  	[tilespmem:s1+$0xFFFFFFD0] =	vst.add.f32.msk $0xffff, v0  }
0x8d: {  	v0 =	vld [tilespmem:s10+$0x18E0];
	_ =	sdelay $0x4  }
0x8e: {  	[tilespmem:s1+$0xFFFFFFE0] =	vst.add.f32.msk $0xffff, v0  }
0x8f: {  	v0 =	vld [tilespmem:s10+$0x18F0];
	_ =	sdelay $0x4  }
0x90: {  	[tilespmem:s1+$0xFFFFFFF0] =	vst.add.f32.msk $0xffff, v0  }
0x91: {  	v0 =	vld [tilespmem:s10+$0x1900];
	_ =	sdelay $0x1  }
0x92: {  	s0 =	sadd.s32 s3, s0  }
0x93: {  	s0 =	smul.u32 $0xC80, s0;
	_ =	sdelay $0x1  }
0x94: {  	s0 =	sadd.s32 s6, s0;
	[tilespmem:s1+$0x0] =	vst.add.f32.msk $0xffff, v0  }
0x95: {  	[hbm4b:s0+s2] =	stream.linear.scatter [tilespmem:s15], [sflag:$0x7], $0x6400, $0x38;
	[tilespmem:$0x1DB00] =	vst v63  }
0x96: {  	s0 =	simm.s32 @!p0 $0x7  }
0x97: {  	_ =	swait.ge @!p0 [sflag:s0], $0x6400  }
0x98: {  	s10 =	simm.s32 @!p0 $0x11300;
	[sflag:s0] =	ssyncset.done @!p0 $0x0  }
0x99: {  	s1 =	simm.s32 @!p0 $0xC8;
	[sflag:s0] =	ssyncadd.s32 @!p0 $0xFFFF9C00;
	s0 =	sadd.s32 @!p0 $0x4B0, s31  }
0x9a: {  	[tilespmem:s10], [sflag:$0x3] =	stream.indirect.gather @!p0 [hbm4b:s4+s1], $0x80, s0, s1, $0xb8;
	[tilespmem:$0x1DB00] =	vst v63  }
0x9b: {  	_ =	swait.ge [sflag:s21], $0x6400  }
0x9c: {  	[sflag:s21] =	ssyncset.done $0x0  }
0x9d: {  	s31 =	simm.s32 $0x30;
	[sflag:s21] =	ssyncadd.s32 $0xFFFF9C00  }
0x9e: {  	v63 =	vld [tilespmem:s31+$0x18D0];
	_ =	sdelay $0x3  }
0x9f: {  	s0 =	simm.s32 $0x17730  }
0xa0: {  	[tilespmem:s0+$0xFFFFFFD0] =	vst.add.f32.msk $0xffff, v63  }
0xa1: {  	v0 =	vld [tilespmem:s31+$0x18E0];
	_ =	sdelay $0x4  }
0xa2: {  	[tilespmem:s0+$0xFFFFFFE0] =	vst.add.f32.msk $0xffff, v0  }
0xa3: {  	v0 =	vld [tilespmem:s31+$0x18F0];
	_ =	sdelay $0x4  }
0xa4: {  	[tilespmem:s0+$0xFFFFFFF0] =	vst.add.f32.msk $0xffff, v0  }
0xa5: {  	v0 =	vld [tilespmem:s31+$0x1900];
	_ =	sdelay $0x4  }
0xa6: {  	s1 =	simm.s32 $0x70;
	s10 =	simm.s32 $0x2C0;
	[tilespmem:s0+$0x0] =	vst.add.f32.msk $0xffff, v0  }
.LBB2_9:
0xa7: {  	p0 =	sne.s32 s10, $0xC7C0;
	v0 =	vld [tilespmem:s1+$0x18D0];
	_ =	sdelay $0x3  }
0xa8: {  	s0 =	sadd.s32 $0x80, s0  }
0xa9: {  	[tilespmem:s0+$0xFFFFFFD0] =	vst.add.f32.msk $0xffff, v0  }
0xaa: {  	v0 =	vld [tilespmem:s1+$0x18E0];
	_ =	sdelay $0x4  }
0xab: {  	[tilespmem:s0+$0xFFFFFFE0] =	vst.add.f32.msk $0xffff, v0  }
0xac: {  	v0 =	vld [tilespmem:s1+$0x18F0];
	_ =	sdelay $0x4  }
0xad: {  	[tilespmem:s0+$0xFFFFFFF0] =	vst.add.f32.msk $0xffff, v0  }
0xae: {  	v0 =	vld [tilespmem:s1+$0x1900]  }
.Ltmp3:
0xaf: {  	(pc) =	sbr.rel @p0 .LBB2_9-.Ltmp3, $2  }
0xb0: {  	_ =	sdelay $0x2  }
0xb1: {  	s1 =	sshra.s32 s10, $0x2;
	s10 =	sadd.s32 $0x100, s10;
	[tilespmem:s0+$0x0] =	vst.add.f32.msk $0xffff, v0  }
0xb2: {  	v0 =	vld [tilespmem:s1+$0x18D0];
	_ =	sdelay $0x3  }
0xb3: {  	s0 =	sadd.s32 $0x80, s0  }
0xb4: {  	[tilespmem:s0+$0xFFFFFFD0] =	vst.add.f32.msk $0xffff, v0  }
0xb5: {  	v0 =	vld [tilespmem:s1+$0x18E0];
	_ =	sdelay $0x4  }
0xb6: {  	[tilespmem:s0+$0xFFFFFFE0] =	vst.add.f32.msk $0xffff, v0  }
0xb7: {  	v0 =	vld [tilespmem:s1+$0x18F0];
	_ =	sdelay $0x4  }
0xb8: {  	[tilespmem:s0+$0xFFFFFFF0] =	vst.add.f32.msk $0xffff, v0  }
0xb9: {  	s28 =	sadd.s32 $0x1, s28;
	v0 =	vld [tilespmem:s1+$0x1900]  }
0xba: {  	p0 =	sne.s32 s28, $0x8  }
.Ltmp4:
0xbb: {  	s30 =	sadd.s32 s3, s29;
	(pc) =	sbr.rel @p0 .LBB2_2-.Ltmp4, $3  }
0xbc: {  	s1 =	smul.u32 $0xC80, s30;
	_ =	sdelay $0x1  }
0xbd: {  	s31 =	sadd.s32 s6, s1;
	[tilespmem:s0+$0x0] =	vst.add.f32.msk $0xffff, v0  }
0xbe: {  	[hbm4b:s31+s2] =	stream.linear.scatter [tilespmem:s17], [sflag:$0x8], $0x6400, $0x38;
	[tilespmem:$0x1DB00] =	vst v63  }
0xbf: {  	_ =	swait.ge [sflag:s22], $0x6400  }
0xc0: {  	[sflag:s22] =	ssyncset.done $0x0  }
0xc1: {  	[sflag:s22] =	ssyncadd.s32 $0xFFFF9C00  }
0xc2: {  	_ =	swait.ge [sflag:s23], $0x6400  }
0xc3: {  	[sflag:s23] =	ssyncset.done $0x0  }
0xc4: {  	s26 =	sadd.s32 $0x1, s26;
	[sflag:s23] =	ssyncadd.s32 $0xFFFF9C00  }
0xc5: {  	p0 =	sne.s32 s26, s8;
	_ =	swait.ge [sflag:s24], $0x6400  }
.Ltmp5:
0xc6: {  	[sflag:s24] =	ssyncset.done $0x0;
	(pc) =	sbr.rel @p0 .LBB2_1-.Ltmp5, $4  }
0xc7: {  	[sflag:s24] =	ssyncadd.s32 $0xFFFF9C00  }
0xc8: {  	_ =	swait.ge [sflag:s25], $0x6400  }
0xc9: {  	[sflag:s25] =	ssyncset.done $0x0  }
0xca: {  	[sflag:s25] =	ssyncadd.s32 $0xFFFF9C00  }
0xcb: {  	_ =	sfence.sel $0x180000  }
0xcc: {  	[bflag:$0x0] =	sbarrier.arrive $0xFFFF  }
0xcd: {  	_ =	strace $0x90000047  }
0xce: {  	s0 =	stileid.u32;
	[bflag:$0x2] =	sbarrier.arrive $0xFFFF  }
0xcf: {  	p0 =	sne.s32 s0, $0x0;
	s0 =	rddreg [dreg:$0x2]  }
0xd0: {  	s0 =	sadd.s32 @!p0 $0x100000, s0  }
0xd1: {  	[sflag:s0] =	ssyncadd.tile.s32 @!p0 $0x1;
	_ =	shalt  }
.Lfunc_end2:
_tile_overlayer_lowered:
.L_overlay_start_2:
0xd2: {  	(tag) =	ssettag $0x2  }
0xd3: {  	s0 =	rddreg [dreg:$0x0];
	s2 =	stileid.u32  }
0xd4: {  	s1 =	rddreg [dreg:$0x1];
	p0 =	sne.s32 s2, $0x0  }
0xd5: {  	s3 =	rddreg [dreg:$0x2];
	[bflag:$0x3] =	sbarrier.arrive $0xFFFF;
	s2 =	simm.s32 @!p0 $0x1C09  }
0xd6: {  	[timem:s3], [sflag:s2] =	dma.local @!p0 [hbm:s0], s1  }
0xd7: {  	s0 =	simm.s32 @!p0 $0x9  }
0xd8: {  	_ =	swait.ge @!p0 [sflag:s0], s1  }
0xd9: {  	s1 =	ssub.s32 @!p0 $0x0, s1;
	[sflag:s0] =	ssyncset.done @!p0 $0x0  }
0xda: {  	[sflag:s0] =	ssyncadd.s32 @!p0 s1  }
0xdb: {  	[bflag:$0x3] =	sbarrier.arrive $0xFFFF  }
0xdc: {  	_ =	shalt  }

// kernel: sparse-core-data-format-call.cloned.1.call-start
scs
called_computation_lowered:
.L_overlay_start_0:
0x0: {  	s2 =	sld [smem:$0x3FD9]  }
0x1: {  	s3 =	sld [smem:$0x3FFE];
	_ =	sdelay $0x1  }
0x2: {  	s1 =	srdreg.scid  }
0x3: {  	s0 =	sand.u32 $0x1, s1  }
0x4: {  	s18 =	sshll.u32 s0, $0xA;
	s2 =	sadd.s32 s3, s2  }
0x5: {  	s2 =	sadd.s32 s2, s18  }
0x6: {  	[smem:$0x3FC5] =	sst s2  }
0x7: {  	_ = 	snop  }
0x8: {  	s2 =	sld [smem:$0x3FD0];
	(tm) =	ssettm $0x1  }
0x9: {  	s19 =	sld [smem:$0x3FFB];
	_ =	sdelay $0x3  }
0xa: {  	_ =	strace s19  }
0xb: {  	s3 =	sld [smem:$0x3FFC];
	_ =	sdelay $0x3  }
0xc: {  	_ =	strace s3  }
0xd: {  	s3 =	sld [smem:$0x3FFD];
	_ =	sdelay $0x3  }
0xe: {  	_ =	strace s3  }
0xf: {  	_ =	strace $0x8FFFFFFF  }
0x10: {  	s20 =	sld [smem:$0x3FDB];
	_ =	sdelay $0x1  }
0x11: {  	s4 =	simm.s32 $_scs_section_size  }
0x12: {  	s5 =	simm.s32 $_size__tile_overlayer_lowered;
	s6 =	simm.s32 $_tile_overlayer_lowered  }
0x13: {  	s23 =	simm.s32 $0x1BFF;
	s22 =	sshll.u32 s6, $0x1;
	s3 =	sadd.s32 s4, s20  }
0x14: {  	s7 =	simm.s32 $0x0;
	s21 =	sshll.u32 s5, $0x1;
	s5 =	sadd.s32 s22, s3  }
0x15: {  	[timem:s7], [sflag:s23] =	dma.local [hbm:s5], s21  }
0x16: {  	_ =	swait.ge [sflag:s23], s21  }
0x17: {  	s4 =	ssub.s32 $0x0, s21;
	[sflag:s23] =	ssyncset.done $0x0  }
0x18: {  	[sflag:s23] =	ssyncadd.s32 s4;
	_ =	sdelay $0x1  }
0x19: {  	s24 =	simm.s32 $0x1B8B  }
0x1a: {  	_ =	swait.ge [sflag:s24], $0x1  }
0x1b: {  	[sflag:s24] =	ssyncset.done $0x0  }
0x1c: {  	s26 =	simm.s32 $0x1B8E;
	s25 =	sld [smem:$0x3FFE];
	[sflag:s24] =	ssyncadd.s32 $0xFFFFFFFF  }
0x1d: {  	s27 =	simm.s32 $execute0_lowered;
	[smem:$0x3FD2] =	sst s26  }
0x1e: {  	s5 =	sshll.u32 s27, $0x1;
	_ =	strace $0x80000049;
	[dreg:$0x1] =	wrdreg $0xFFFFFFFF  }
0x1f: {  	s28 =	simm.s32 $_size_execute0_lowered;
	s3 =	sadd.s32 s3, s5;
	[dreg:$0x0] =	wrdreg $0x0  }
0x20: {  	s5 =	sshll.u32 s28, $0x1;
	[dreg:$0x2] =	wrdreg s3  }
0x21: {  	[dreg:$0x3] =	wrdreg s5  }
0x22: {  	[dreg:$0x4] =	wrdreg $0xC0  }
0x23: {  	_ =	task [dreg:s7], $0x5FFFF  }
0x24: {  	[dreg:$0x1] =	wrdreg $0xFFFFFFFF  }
0x25: {  	[dreg:$0x0] =	wrdreg $0x60  }
0x26: {  	[dreg:$0x2] =	wrdreg s25  }
0x27: {  	[dreg:$0x3] =	wrdreg s2  }
0x28: {  	[dreg:$0x4] =	wrdreg $0x9  }
0x29: {  	_ =	task.clear_ibuf [dreg:s7], $0x5FFFF;
	_ =	strace $0x90000049  }
0x2a: {  	s29 =	simm.s32 $0x9;
	_ =	strace $0x8000004B  }
0x2b: {  	_ =	swait.ge [sflag:s29], $0x1  }
0x2c: {  	[sflag:s29] =	ssyncadd.s32 $0xFFFFFFFF  }
0x2d: {  	_ =	strace $0x9000004B  }
0x2e: {  	_ =	sfence  }
0x2f: {  	s30 =	sld [smem:$0x0];
	_ =	sdelay $0x2  }
0x30: {  	s31 =	sshll.u32 s1, $0xD;
	s1 =	sshrl.u32 s1, $0x2  }
0x31: {  	s3 =	sand.u32 $0x4000, s31;
	s1 =	sadd.s32 s1, s30  }
0x32: {  	s0 =	sor.u32 s3, s0;
	s1 =	sshll.u32 s1, $0x11  }
0x33: {  	s0 =	sor.u32 s1, s0  }
0x34: {  	s0 =	sadd.s32 $0x8F2B, s0  }
0x35: {  	[sflag:s0] =	ssyncadd.remote.s32 $0x1  }
0x36: {  	_ =	sfence.sel $0xFFFF  }
0x37: {  	[dreg:$0x0] =	wrdreg $0xFFFFFFFF;
	(pc) =	sbr.abs _section_cstart, $3  }
0x38: {  	[dreg:$0x1] =	wrdreg $0xFFFFFFFF  }
0x39: {  	_ =	task.clear_ibuf [dreg:s7], $0x2FFFF;
	_ =	strace $0x9FFFFFFF  }
0x3a: {  	(tm) =	ssettm $0x7FFFFFFF  }
0x3b: {  	_ =	shalt  }
tec
execute0_lowered:
.L_overlay_start_1:
0x0: {  	(tag) =	ssettag $0x1  }
0x1: {  	s0 =	stileid.u32;
	s6 =	rddreg [dreg:$0x0]  }
0x2: {  	s2 =	rddreg [dreg:$0x1];
	s5 =	srdreg.scid  }
0x3: {  	s31 =	simm.s32 $0x2;
	s13 =	simm.s32 $0x0;
	s1 =	sshll.u32 s0, $0x7  }
0x4: {  	s14 =	simm.s32 $0x0;
	s12 =	simm.s32 $0x0;
	s3 =	sand.u32 $0x380, s1  }
0x5: {  	s5 =	sshll.u32 s5, $0x4;
	s6 =	sadd.s32 $0xC00, s6;
	s4 =	ssub.s32 $0x400, s3  }
0x6: {  	s1 =	rddreg [dreg:$0x2];
	_ =	strace $0x8000004A;
	s7 =	sand.u32 $0x380, s4  }
0x7: {  	s5 =	sand.u32 $0x10, s5;
	p0 =	sne.s32 s7, $0x0;
	s7 =	simm.s32 $0x1  }
.Ltmp0:
0x8: {  	s8 =	sshrl.u32 s4, $0xA;
	s7 =	simm.s32 @!p0 $0x0;
	(pc) =	sbr.rel .LBB1_1-.Ltmp0, $4  }
0x9: {  	s9 =	sor.u32 s0, s5;
	s4 =	simm.s32 $0x1;
	s30 =	sadd.s32 s7, s8  }
0xa: {  	s11 =	smov.u32 s3;
	[sflag:s4] =	ssyncpa.u1 $0x0;
	s5 =	smul.u32 $0x32, s30  }
0xb: {  	[sflag:s31] =	ssyncpa.u1 $0x0;
	p0 =	por $0x0, $0x0;
	s7 =	sshrl.u32 s9, $0x3  }
0xc: {  	s9 =	simm.s32 $0x2000;
	s10 =	smov.u32 s7;
	s8 =	sor.u32 $0x1, s5  }
.LBB1_4:
0xd: {  	s17 =	sand.u32 $0x1F80, s14;
	s13 =	sshll.u32 s13, $0xD  }
0xe: {  	[tilespmem:s16+$0x810 ss:$0x81] =	vst.msk $0xffff, v2;
	s18 =	sshrl.u32 s14, $0x3;
	s31 =	sand.u32 $0x7, s14;
	s17 =	sadd.s32 s2, s17  }
0xf: {  	[tilespmem:s16+$0x1020 ss:$0x81] =	vst.msk $0xffff, v0;
	s18 =	sand.u32 $0xF, s18;
	s14 =	sshll.u32 s31, $0x12;
	s13 =	sadd.s32 s13, s17  }
0x10: {  	[tilespmem:s16+$0x0 ss:$0x81] =	vst.msk $0xffff, v1;
	s14 =	sor.u32 $0x400, s14;
	s13 =	sadd.s32 s18, s13  }
0x11: {  	[hbm4b:s13+s14] =	stream.strided.scatter [tilespmem:s15], [sflag:$0x2], $0x2000, s9, s14, $0x20;
	[tilespmem:$0x8080] =	vst v63  }
.LBB1_5:
0x12: {  	s15 =	sadd.s32 $0x4, s10  }
0x13: {  	s13 =	sadd.s32 $0x400, s11;
	s17 =	smov.u32 s11;
	p2 =	sgt.s32 s15, $0xC7  }
0x14: {  	s17 =	smov.u32 @p2 s13  }
0x15: {  	s15 =	smov.u32 @p2 s7;
	p2 =	sgt.s32 s17, $0x3FF  }
0x16: {  	s17 =	smov.u32 @p2 s3;
	p2 =	sne.s32 s12, s8  }
.Ltmp1:
0x17: {  	p1 =	slt.u32 s12, $0x2;
	(pc) =	sbr.rel @!p2 .LBB1_6-.Ltmp1, $4  }
0x18: {  	s16 =	simm.s32 @!p1 $0x2  }
0x19: {  	s14 =	smov.u32 s11;
	p0 =	por !p0, !p0;
	_ =	swait.ge @!p1 [sflag:s16], $0x2000  }
0x1a: {  	s13 =	smov.u32 s10;
	[sflag:s16] =	ssyncset.done @!p1 $0x0;
	s10 =	smov.u32 s15  }
0x1b: {  	s12 =	sadd.s32 $0x1, s12;
	[sflag:s16] =	ssyncadd.s32 @!p1 $0xFFFFE000;
	s11 =	smov.u32 s17  }
.LBB1_1:
0x1c: {  	p1 =	sge.u32 s12, s5  }
0x1d: {  	s15 =	sand.u32 @!p1 $0x1FFFFFF, s10  }
0x1e: {  	s16 =	smulhi.u32 @!p1 $0x147AE15, s15;
	_ =	sdelay $0x1  }
0x1f: {  	s16 =	smul.u32 @!p1 $0xC8, s16  }
0x20: {  	s17 =	sxor.u32 @!p1 $0xFFFFFFFF, s12;
	s18 =	smul.u32 @!p1 $0xC80, s11  }
0x21: {  	s31 =	sadd.s32 $0xFFFFFFFF, s12;
	s17 =	sshll.u32 @!p1 s17, $0xD;
	s15 =	ssub.s32 @!p1 s15, s16  }
0x22: {  	s16 =	sand.u32 @!p1 $0x2000, s17;
	s17 =	sadd.s32 @!p1 s6, s18;
	s15 =	sshll.u32 @!p1 s15, $0x4  }
0x23: {  	s18 =	simm.s32 @!p1 $0x6400;
	s15 =	sadd.s32 @!p1 s15, s17;
	s17 =	simm.s32 @!p1 $0x40  }
0x24: {  	[tilespmem:s16], [sflag:$0x1] =	stream.strided.gather @!p1 [hbm4b:s15+s17], $0x2000, s18, s17, $0x38;
	[tilespmem:$0x8080] =	vst v63  }
0x25: {  	p1 =	sge.u32 s31, s5  }
.Ltmp2:
0x26: {  	_ = 	snop;
	(pc) =	sbr.rel @p1 .LBB1_5-.Ltmp2, $1  }
0x27: {  	_ =	sdelay $0x3  }
0x28: {  	s15 =	simm.s32 $0x1  }
0x29: {  	_ =	swait.ge [sflag:s4], $0x2000;
	s15 =	simm.s32 @!p0 $0x0  }
0x2a: {  	[sflag:s4] =	ssyncset.done $0x0;
	s16 =	sshll.u32 s15, $0xD  }
0x2b: {  	[sflag:s4] =	ssyncadd.s32 $0xFFFFE000;
	s19 =	sor.u32 $0x20, s16  }
0x2c: {  	s15 =	smul.u32 $0x8100, s15;
	v3 =	vld [tilespmem:s19+$0x10]  }
0x2d: {  	s30 =	sand.u32 $0x1, s12;
	v2 =	vld [tilespmem:s19+$0xFFFFFFF0]  }
0x2e: {  	s16 =	smul.u32 $0x8100, s30;
	s15 =	sshrl.u32 s15, $0x2;
	v0 =	vld [tilespmem:s19+$0x0]  }
0x2f: {  	v1 =	vld [tilespmem:s19+$0xFFFFFFE0];
	s17 =	sor.u32 $0x4000, s15  }
0x30: {  	s31 =	sshrl.u32 s16, $0x2;
	s16 =	sadd.s32 $0x0, s17  }
0x31: {  	s18 =	simm.s32 $0x4;
	s19 =	sadd.s32 $0x40, s19;
	s15 =	sor.u32 $0x4000, s31;
	[tilespmem:s16+$0x1830 ss:$0x81] =	vst.msk $0xffff, v3  }
.LBB1_3:
0x32: {  	v3 =	vld [tilespmem:s19+$0x10];
	p1 =	sne.s32 s18, $0x1FC;
	[tilespmem:s16+$0x810 ss:$0x81] =	vst.msk $0xffff, v2;
	s20 =	smov.u32 s18;
	s18 =	sadd.s32 $0x4, s18  }
.Ltmp3:
0x33: {  	v2 =	vld [tilespmem:s19+$0xFFFFFFF0];
	[tilespmem:s16+$0x1020 ss:$0x81] =	vst.msk $0xffff, v0;
	(pc) =	sbr.rel @p1 .LBB1_3-.Ltmp3, $4  }
0x34: {  	v0 =	vld [tilespmem:s19+$0x0];
	[tilespmem:s16+$0x0 ss:$0x81] =	vst.msk $0xffff, v1  }
0x35: {  	s16 =	sshra.s32 s20, $0x2;
	v1 =	vld [tilespmem:s19+$0xFFFFFFE0]  }
0x36: {  	s16 =	sadd.s32 s16, s17  }
0x37: {  	s19 =	sadd.s32 $0x40, s19;
	[tilespmem:s16+$0x1830 ss:$0x81] =	vst.msk $0xffff, v3  }
.Ltmp4:
0x38: {  	_ = 	snop;
	(pc) =	sbr.rel .LBB1_4-.Ltmp4, $1  }
0x39: {  	_ =	sdelay $0x3  }
.LBB1_6:
0x3a: {  	_ =	sfence.sel $0x180000  }
0x3b: {  	s2 =	simm.s32 $0x1;
	[bflag:$0x0] =	sbarrier.arrive $0xFFFF  }
0x3c: {  	s31 =	simm.s32 $0x2;
	[sflag:s2] =	ssyncpa.u1 $0x1  }
0x3d: {  	[sflag:s31] =	ssyncpa.u1 $0x1  }
0x3e: {  	p0 =	sne.s32 s0, $0x0;
	_ =	strace $0x9000004A  }
0x3f: {  	s0 =	sadd.s32 @!p0 $0x100000, s1;
	[bflag:$0x2] =	sbarrier.arrive $0xFFFF  }
0x40: {  	[sflag:s0] =	ssyncadd.tile.s32 @!p0 $0x1;
	_ =	shalt  }
.Lfunc_end1:
_tile_overlayer_lowered:
.L_overlay_start_2:
0x41: {  	(tag) =	ssettag $0x2  }
0x42: {  	s0 =	rddreg [dreg:$0x0];
	s2 =	stileid.u32  }
0x43: {  	s1 =	rddreg [dreg:$0x1];
	p0 =	sne.s32 s2, $0x0  }
0x44: {  	s3 =	rddreg [dreg:$0x2];
	[bflag:$0x3] =	sbarrier.arrive $0xFFFF;
	s2 =	simm.s32 @!p0 $0x1C01  }
0x45: {  	[timem:s3], [sflag:s2] =	dma.local @!p0 [hbm:s0], s1  }
0x46: {  	s0 =	simm.s32 @!p0 $0x1  }
0x47: {  	_ =	swait.ge @!p0 [sflag:s0], s1  }
0x48: {  	s1 =	ssub.s32 @!p0 $0x0, s1;
	[sflag:s0] =	ssyncset.done @!p0 $0x0  }
0x49: {  	[sflag:s0] =	ssyncadd.s32 @!p0 s1  }
0x4a: {  	[bflag:$0x3] =	sbarrier.arrive $0xFFFF  }
0x4b: {  	_ =	shalt  }

</sc_bundles>
